<compile_context>
chip_gen: v7x
topology: tpu7x:2x2x1
jax: 0.10.2.dev20260603
libtpu: 0.0.44.dev20260713+nightly
codegen_flags: <defaults>
</compile_context>

<pallas_src>
import functools

import jax
import jax.numpy as jnp
from jax import lax
from jax.experimental import pallas as pl
from jax.experimental.pallas import tpu as pltpu
from jax.experimental.pallas import tpu_sc as plsc

_N = 10000
_D = 256
_E = 160000
_HP = 10240
_NC = 2
_NS = 16
_NW = _NC * _NS
_CHUNK = 128
_R = _E // _CHUNK
_K = 40
_KL = _R - 31 * _K
_B = 10
_SLICE = _HP // _NS


def _deg_body(ei_hbm, out_hbm, idx_v, ones_v, zero_v, hist_s, scat_sem):
    cid = lax.axis_index("c")
    sid = lax.axis_index("s")
    wid = sid * _NC + cid

    for i in range(_CHUNK // 16):
        ones_v[pl.ds(i * 16, 16)] = jnp.ones((16,), jnp.int32)
    for i in range(_SLICE // 16):
        zero_v[pl.ds(i * 16, 16)] = jnp.zeros((16,), jnp.int32)

    pltpu.sync_copy(zero_v, hist_s.at[pl.ds(sid * _SLICE, _SLICE)])

    def stage_batch(b, carry):
        descs = [
            pltpu.async_copy(
                ei_hbm.at[pl.ds(0, _NC),
                          pl.ds((wid * _K + b * _B + u) * _CHUNK, _CHUNK)],
                idx_v.at[pl.ds(2 * (b * _B + u), 2)],
                scat_sem,
            )
            for u in range(_B)
        ]
        for d in descs:
            d.wait()
        return carry

    nbatch0 = jnp.where(wid < _NW - 1, _K // _B, _KL // _B)
    lax.fori_loop(0, nbatch0, stage_batch, 0)

    plsc.subcore_barrier()

    def batch(b, carry):
        descs = [
            pltpu.async_copy(ones_v, hist_s.at[idx_v.at[2 * (b * _B + u) + 1]],
                             scat_sem, add=True)
            for u in range(_B)
        ]
        for d in descs:
            d.wait()
        return carry

    nbatch = jnp.where(wid < _NW - 1, _K // _B, _KL // _B)
    lax.fori_loop(0, nbatch, batch, 0)

    plsc.subcore_barrier()

    pltpu.sync_copy(
        hist_s.at[pl.ds(sid * _SLICE, _SLICE)],
        out_hbm.at[cid, pl.ds(sid * _SLICE, _SLICE)],
    )


_deg_call = functools.partial(
    pl.kernel,
    out_type=jax.ShapeDtypeStruct((_NC, _HP), jnp.int32),
    mesh=plsc.VectorSubcoreMesh(
        core_axis_name="c", subcore_axis_name="s",
        num_cores=_NC, num_subcores=_NS,
    ),
    scratch_types=[
        pltpu.VMEM((2 * _K, _CHUNK), jnp.int32),
        pltpu.VMEM((_CHUNK,), jnp.int32),
        pltpu.VMEM((_SLICE,), jnp.int32),
        pltpu.VMEM_SHARED((_HP,), jnp.int32),
        pltpu.SemaphoreType.DMA,
    ],
    compiler_params=pltpu.CompilerParams(use_tc_tiling_on_sc=True),
)(_deg_body)

_BN = 2048


def _pow_body(h_ref, hist_ref, o_ref):
    h = h_ref[...]
    hl = hist_ref[...]
    deg_l = (hl[0] + hl[1]).reshape(1, _BN)
    deg = lax.transpose(deg_l, (1, 0))
    e = jnp.maximum(deg, 1)
    ef = e.astype(jnp.float32)
    r = jnp.exp2(ef * jnp.log2(jnp.abs(h)))
    neg = (h < 0.0) & ((e & 1) == 1)
    r = jnp.where(neg, -r, r)
    o_ref[...] = jnp.where(deg == 0, h, r)


_pow_call = pl.pallas_call(
    _pow_body,
    grid=(pl.cdiv(_N, _BN),),
    in_specs=[
        pl.BlockSpec((_BN, _D), lambda i: (i, 0)),
        pl.BlockSpec((_NC, _BN), lambda i: (0, i)),
    ],
    out_specs=pl.BlockSpec((_BN, _D), lambda i: (i, 0)),
    out_shape=jax.ShapeDtypeStruct((_N, _D), jnp.float32),
)


def kernel(h, edge_index):
    hist = _deg_call(edge_index)
    return _pow_call(h, hist)

# --- scband reference (transcript-rebuilt; emitter-appended) ---
"""Pipeline reference for scband-query-satconv-27144193311188 (READ-ONLY COPY).

The authoritative reference and input builder live on the scoring server;
editing this copy changes nothing except your own understanding.
"""

import jax, jax.numpy as jnp
import numpy as np

N = 10000
E = 160000
D = 256

def setup_inputs(seed: int = 0) -> dict:
    key = jax.random.key(seed)
    k1, k2 = jax.random.split(key)
    h = jax.random.normal(k1, (N, D), dtype=jnp.float32)
    edge_index = jax.random.randint(k2, (2, E), 0, N, dtype=jnp.int32)
    return {"h": h, "edge_index": edge_index}

def reference(h, edge_index):
    # DGL semantics of QuerySATConv:
    #   message_func: msg = edges.dst['h']  (message is the DESTINATION node's own feature)
    #   reduce_func:  h[v] = prod over mailbox (all incoming messages) => h[v] ** in_degree(v)
    #   zero in-degree nodes keep their original feature (DGL UDF reduce only updates
    #   nodes that receive at least one message; 'h' was pre-set in ndata).
    dst = edge_index[1]
    msg = jnp.take(h, dst, axis=0)  # gather dst features per edge, shape [E, D]
    prod = jax.ops.segment_prod(msg, dst, num_segments=N)  # scatter-multiply reduce, identity=1
    deg = jax.ops.segment_sum(jnp.ones((E,), dtype=jnp.float32), dst, num_segments=N)
    out = jnp.where((deg > 0)[:, None], prod, h)
    return out

if __name__ == "__main__":
    import jax
    _d = setup_inputs()
    print(jax.jit(kernel)(*tuple(_d.values())))

</pallas_src>

<mosaic_0001>
#map = affine_map<(d0, d1) -> (0, 0)>
module attributes {stable_mosaic.version = 14 : i64} {
  func.func @_deg_body(%arg0: i32, %arg1: i32, %arg2: memref<2x160000xi32, #tpu.memory_space<hbm>>, %arg3: memref<2x10240xi32, #tpu.memory_space<hbm>>, %arg4: memref<80x128xi32, #tpu.memory_space<vmem>>, %arg5: memref<128xi32, #tpu.memory_space<vmem>>, %arg6: memref<640xi32, #tpu.memory_space<vmem>>, %arg7: memref<10240xi32, #tpu.memory_space<vmem_shared>>, %arg8: memref<!tpu.dma_semaphore, #tpu.memory_space<semaphore_mem>>) attributes {dimension_semantics = [#tpu.dimension_semantics<core_parallel>, #tpu.dimension_semantics<subcore_parallel>], iteration_bounds = array<i64: 2, 16>, scalar_prefetch = 0 : i64, scratch_operands = 5 : i64, tpu.core_type = #tpu.core_type<sc_vector_subcore>, window_params = [{transform_indices = #map}, {transform_indices = #map}]} {
    %mul3A = arith.constant 2 : i32
    %mul3A_0 = arith.muli %arg1, %mul3A : i32
    %add3A = arith.addi %mul3A_0, %arg0 : i32
    %broadcast_in_dim3A = arith.constant 1 : i32
    %broadcast_in_dim3A_1 = vector.broadcast %broadcast_in_dim3A : i32 to vector<16xi32>
    %swap3A = arith.constant 0 : index
    %swap3A_2 = tpu.vector_load %arg5[%swap3A] {strides = array<i32>} : memref<128xi32, #tpu.memory_space<vmem>>, vector<16xi32>,
    %swap3A_3 = vector.shape_cast %swap3A_2 : vector<16xi32> to vector<16xi32>
    %swap3A_4 = vector.shape_cast %broadcast_in_dim3A_1 : vector<16xi32> to vector<16xi32>
    tpu.vector_store %arg5[%swap3A], %swap3A_4 {strides = array<i32>} : memref<128xi32, #tpu.memory_space<vmem>>, vector<16xi32>,
    %broadcast_in_dim3A_5 = arith.constant 1 : i32
    %broadcast_in_dim3A_6 = vector.broadcast %broadcast_in_dim3A_5 : i32 to vector<16xi32>
    %swap3A_7 = arith.constant 16 : index
    %swap3A_8 = tpu.vector_load %arg5[%swap3A_7] {strides = array<i32>} : memref<128xi32, #tpu.memory_space<vmem>>, vector<16xi32>,
    %swap3A_9 = vector.shape_cast %swap3A_8 : vector<16xi32> to vector<16xi32>
    %swap3A_10 = vector.shape_cast %broadcast_in_dim3A_6 : vector<16xi32> to vector<16xi32>
    tpu.vector_store %arg5[%swap3A_7], %swap3A_10 {strides = array<i32>} : memref<128xi32, #tpu.memory_space<vmem>>, vector<16xi32>,
    %broadcast_in_dim3A_11 = arith.constant 1 : i32
    %broadcast_in_dim3A_12 = vector.broadcast %broadcast_in_dim3A_11 : i32 to vector<16xi32>
    %swap3A_13 = arith.constant 32 : index
    %swap3A_14 = tpu.vector_load %arg5[%swap3A_13] {strides = array<i32>} : memref<128xi32, #tpu.memory_space<vmem>>, vector<16xi32>,
    %swap3A_15 = vector.shape_cast %swap3A_14 : vector<16xi32> to vector<16xi32>
    %swap3A_16 = vector.shape_cast %broadcast_in_dim3A_12 : vector<16xi32> to vector<16xi32>
    tpu.vector_store %arg5[%swap3A_13], %swap3A_16 {strides = array<i32>} : memref<128xi32, #tpu.memory_space<vmem>>, vector<16xi32>,
    %broadcast_in_dim3A_17 = arith.constant 1 : i32
    %broadcast_in_dim3A_18 = vector.broadcast %broadcast_in_dim3A_17 : i32 to vector<16xi32>
    %swap3A_19 = arith.constant 48 : index
    %swap3A_20 = tpu.vector_load %arg5[%swap3A_19] {strides = array<i32>} : memref<128xi32, #tpu.memory_space<vmem>>, vector<16xi32>,
    %swap3A_21 = vector.shape_cast %swap3A_20 : vector<16xi32> to vector<16xi32>
    %swap3A_22 = vector.shape_cast %broadcast_in_dim3A_18 : vector<16xi32> to vector<16xi32>
    tpu.vector_store %arg5[%swap3A_19], %swap3A_22 {strides = array<i32>} : memref<128xi32, #tpu.memory_space<vmem>>, vector<16xi32>,
    %broadcast_in_dim3A_23 = arith.constant 1 : i32
    %broadcast_in_dim3A_24 = vector.broadcast %broadcast_in_dim3A_23 : i32 to vector<16xi32>
    %swap3A_25 = arith.constant 64 : index
    %swap3A_26 = tpu.vector_load %arg5[%swap3A_25] {strides = array<i32>} : memref<128xi32, #tpu.memory_space<vmem>>, vector<16xi32>,
    %swap3A_27 = vector.shape_cast %swap3A_26 : vector<16xi32> to vector<16xi32>
    %swap3A_28 = vector.shape_cast %broadcast_in_dim3A_24 : vector<16xi32> to vector<16xi32>
    tpu.vector_store %arg5[%swap3A_25], %swap3A_28 {strides = array<i32>} : memref<128xi32, #tpu.memory_space<vmem>>, vector<16xi32>,
    %broadcast_in_dim3A_29 = arith.constant 1 : i32
    %broadcast_in_dim3A_30 = vector.broadcast %broadcast_in_dim3A_29 : i32 to vector<16xi32>
    %swap3A_31 = arith.constant 80 : index
    %swap3A_32 = tpu.vector_load %arg5[%swap3A_31] {strides = array<i32>} : memref<128xi32, #tpu.memory_space<vmem>>, vector<16xi32>,
    %swap3A_33 = vector.shape_cast %swap3A_32 : vector<16xi32> to vector<16xi32>
    %swap3A_34 = vector.shape_cast %broadcast_in_dim3A_30 : vector<16xi32> to vector<16xi32>
    tpu.vector_store %arg5[%swap3A_31], %swap3A_34 {strides = array<i32>} : memref<128xi32, #tpu.memory_space<vmem>>, vector<16xi32>,
    %broadcast_in_dim3A_35 = arith.constant 1 : i32
    %broadcast_in_dim3A_36 = vector.broadcast %broadcast_in_dim3A_35 : i32 to vector<16xi32>
    %swap3A_37 = arith.constant 96 : index
    %swap3A_38 = tpu.vector_load %arg5[%swap3A_37] {strides = array<i32>} : memref<128xi32, #tpu.memory_space<vmem>>, vector<16xi32>,
    %swap3A_39 = vector.shape_cast %swap3A_38 : vector<16xi32> to vector<16xi32>
    %swap3A_40 = vector.shape_cast %broadcast_in_dim3A_36 : vector<16xi32> to vector<16xi32>
    tpu.vector_store %arg5[%swap3A_37], %swap3A_40 {strides = array<i32>} : memref<128xi32, #tpu.memory_space<vmem>>, vector<16xi32>,
    %broadcast_in_dim3A_41 = arith.constant 1 : i32
    %broadcast_in_dim3A_42 = vector.broadcast %broadcast_in_dim3A_41 : i32 to vector<16xi32>
    %swap3A_43 = arith.constant 112 : index
    %swap3A_44 = tpu.vector_load %arg5[%swap3A_43] {strides = array<i32>} : memref<128xi32, #tpu.memory_space<vmem>>, vector<16xi32>,
    %swap3A_45 = vector.shape_cast %swap3A_44 : vector<16xi32> to vector<16xi32>
    %swap3A_46 = vector.shape_cast %broadcast_in_dim3A_42 : vector<16xi32> to vector<16xi32>
    tpu.vector_store %arg5[%swap3A_43], %swap3A_46 {strides = array<i32>} : memref<128xi32, #tpu.memory_space<vmem>>, vector<16xi32>,
    %broadcast_in_dim3A_47 = arith.constant 0 : i32
    %broadcast_in_dim3A_48 = vector.broadcast %broadcast_in_dim3A_47 : i32 to vector<16xi32>
    %swap3A_49 = arith.constant 0 : index
    %swap3A_50 = tpu.vector_load %arg6[%swap3A_49] {strides = array<i32>} : memref<640xi32, #tpu.memory_space<vmem>>, vector<16xi32>,
    %swap3A_51 = vector.shape_cast %swap3A_50 : vector<16xi32> to vector<16xi32>
    %swap3A_52 = vector.shape_cast %broadcast_in_dim3A_48 : vector<16xi32> to vector<16xi32>
    tpu.vector_store %arg6[%swap3A_49], %swap3A_52 {strides = array<i32>} : memref<640xi32, #tpu.memory_space<vmem>>, vector<16xi32>,
    %broadcast_in_dim3A_53 = arith.constant 0 : i32
    %broadcast_in_dim3A_54 = vector.broadcast %broadcast_in_dim3A_53 : i32 to vector<16xi32>
    %swap3A_55 = arith.constant 16 : index
    %swap3A_56 = tpu.vector_load %arg6[%swap3A_55] {strides = array<i32>} : memref<640xi32, #tpu.memory_space<vmem>>, vector<16xi32>,
    %swap3A_57 = vector.shape_cast %swap3A_56 : vector<16xi32> to vector<16xi32>
    %swap3A_58 = vector.shape_cast %broadcast_in_dim3A_54 : vector<16xi32> to vector<16xi32>
    tpu.vector_store %arg6[%swap3A_55], %swap3A_58 {strides = array<i32>} : memref<640xi32, #tpu.memory_space<vmem>>, vector<16xi32>,
    %broadcast_in_dim3A_59 = arith.constant 0 : i32
    %broadcast_in_dim3A_60 = vector.broadcast %broadcast_in_dim3A_59 : i32 to vector<16xi32>
    %swap3A_61 = arith.constant 32 : index
    %swap3A_62 = tpu.vector_load %arg6[%swap3A_61] {strides = array<i32>} : memref<640xi32, #tpu.memory_space<vmem>>, vector<16xi32>,
    %swap3A_63 = vector.shape_cast %swap3A_62 : vector<16xi32> to vector<16xi32>
    %swap3A_64 = vector.shape_cast %broadcast_in_dim3A_60 : vector<16xi32> to vector<16xi32>
    tpu.vector_store %arg6[%swap3A_61], %swap3A_64 {strides = array<i32>} : memref<640xi32, #tpu.memory_space<vmem>>, vector<16xi32>,
    %broadcast_in_dim3A_65 = arith.constant 0 : i32
    %broadcast_in_dim3A_66 = vector.broadcast %broadcast_in_dim3A_65 : i32 to vector<16xi32>
    %swap3A_67 = arith.constant 48 : index
    %swap3A_68 = tpu.vector_load %arg6[%swap3A_67] {strides = array<i32>} : memref<640xi32, #tpu.memory_space<vmem>>, vector<16xi32>,
    %swap3A_69 = vector.shape_cast %swap3A_68 : vector<16xi32> to vector<16xi32>
    %swap3A_70 = vector.shape_cast %broadcast_in_dim3A_66 : vector<16xi32> to vector<16xi32>
    tpu.vector_store %arg6[%swap3A_67], %swap3A_70 {strides = array<i32>} : memref<640xi32, #tpu.memory_space<vmem>>, vector<16xi32>,
    %broadcast_in_dim3A_71 = arith.constant 0 : i32
    %broadcast_in_dim3A_72 = vector.broadcast %broadcast_in_dim3A_71 : i32 to vector<16xi32>
    %swap3A_73 = arith.constant 64 : index
    %swap3A_74 = tpu.vector_load %arg6[%swap3A_73] {strides = array<i32>} : memref<640xi32, #tpu.memory_space<vmem>>, vector<16xi32>,
    %swap3A_75 = vector.shape_cast %swap3A_74 : vector<16xi32> to vector<16xi32>
    %swap3A_76 = vector.shape_cast %broadcast_in_dim3A_72 : vector<16xi32> to vector<16xi32>
    tpu.vector_store %arg6[%swap3A_73], %swap3A_76 {strides = array<i32>} : memref<640xi32, #tpu.memory_space<vmem>>, vector<16xi32>,
    %broadcast_in_dim3A_77 = arith.constant 0 : i32
    %broadcast_in_dim3A_78 = vector.broadcast %broadcast_in_dim3A_77 : i32 to vector<16xi32>
    %swap3A_79 = arith.constant 80 : index
    %swap3A_80 = tpu.vector_load %arg6[%swap3A_79] {strides = array<i32>} : memref<640xi32, #tpu.memory_space<vmem>>, vector<16xi32>,
    %swap3A_81 = vector.shape_cast %swap3A_80 : vector<16xi32> to vector<16xi32>
    %swap3A_82 = vector.shape_cast %broadcast_in_dim3A_78 : vector<16xi32> to vector<16xi32>
    tpu.vector_store %arg6[%swap3A_79], %swap3A_82 {strides = array<i32>} : memref<640xi32, #tpu.memory_space<vmem>>, vector<16xi32>,
    %broadcast_in_dim3A_83 = arith.constant 0 : i32
    %broadcast_in_dim3A_84 = vector.broadcast %broadcast_in_dim3A_83 : i32 to vector<16xi32>
    %swap3A_85 = arith.constant 96 : index
    %swap3A_86 = tpu.vector_load %arg6[%swap3A_85] {strides = array<i32>} : memref<640xi32, #tpu.memory_space<vmem>>, vector<16xi32>,
    %swap3A_87 = vector.shape_cast %swap3A_86 : vector<16xi32> to vector<16xi32>
    %swap3A_88 = vector.shape_cast %broadcast_in_dim3A_84 : vector<16xi32> to vector<16xi32>
    tpu.vector_store %arg6[%swap3A_85], %swap3A_88 {strides = array<i32>} : memref<640xi32, #tpu.memory_space<vmem>>, vector<16xi32>,
    %broadcast_in_dim3A_89 = arith.constant 0 : i32
    %broadcast_in_dim3A_90 = vector.broadcast %broadcast_in_dim3A_89 : i32 to vector<16xi32>
    %swap3A_91 = arith.constant 112 : index
    %swap3A_92 = tpu.vector_load %arg6[%swap3A_91] {strides = array<i32>} : memref<640xi32, #tpu.memory_space<vmem>>, vector<16xi32>,
    %swap3A_93 = vector.shape_cast %swap3A_92 : vector<16xi32> to vector<16xi32>
    %swap3A_94 = vector.shape_cast %broadcast_in_dim3A_90 : vector<16xi32> to vector<16xi32>
    tpu.vector_store %arg6[%swap3A_91], %swap3A_94 {strides = array<i32>} : memref<640xi32, #tpu.memory_space<vmem>>, vector<16xi32>,
    %broadcast_in_dim3A_95 = arith.constant 0 : i32
    %broadcast_in_dim3A_96 = vector.broadcast %broadcast_in_dim3A_95 : i32 to vector<16xi32>
    %swap3A_97 = arith.constant 128 : index
    %swap3A_98 = tpu.vector_load %arg6[%swap3A_97] {strides = array<i32>} : memref<640xi32, #tpu.memory_space<vmem>>, vector<16xi32>,
    %swap3A_99 = vector.shape_cast %swap3A_98 : vector<16xi32> to vector<16xi32>
    %swap3A_100 = vector.shape_cast %broadcast_in_dim3A_96 : vector<16xi32> to vector<16xi32>
    tpu.vector_store %arg6[%swap3A_97], %swap3A_100 {strides = array<i32>} : memref<640xi32, #tpu.memory_space<vmem>>, vector<16xi32>,
    %broadcast_in_dim3A_101 = arith.constant 0 : i32
    %broadcast_in_dim3A_102 = vector.broadcast %broadcast_in_dim3A_101 : i32 to vector<16xi32>
    %swap3A_103 = arith.constant 144 : index
    %swap3A_104 = tpu.vector_load %arg6[%swap3A_103] {strides = array<i32>} : memref<640xi32, #tpu.memory_space<vmem>>, vector<16xi32>,
    %swap3A_105 = vector.shape_cast %swap3A_104 : vector<16xi32> to vector<16xi32>
    %swap3A_106 = vector.shape_cast %broadcast_in_dim3A_102 : vector<16xi32> to vector<16xi32>
    tpu.vector_store %arg6[%swap3A_103], %swap3A_106 {strides = array<i32>} : memref<640xi32, #tpu.memory_space<vmem>>, vector<16xi32>,
    %broadcast_in_dim3A_107 = arith.constant 0 : i32
    %broadcast_in_dim3A_108 = vector.broadcast %broadcast_in_dim3A_107 : i32 to vector<16xi32>
    %swap3A_109 = arith.constant 160 : index
    %swap3A_110 = tpu.vector_load %arg6[%swap3A_109] {strides = array<i32>} : memref<640xi32, #tpu.memory_space<vmem>>, vector<16xi32>,
    %swap3A_111 = vector.shape_cast %swap3A_110 : vector<16xi32> to vector<16xi32>
    %swap3A_112 = vector.shape_cast %broadcast_in_dim3A_108 : vector<16xi32> to vector<16xi32>
    tpu.vector_store %arg6[%swap3A_109], %swap3A_112 {strides = array<i32>} : memref<640xi32, #tpu.memory_space<vmem>>, vector<16xi32>,
    %broadcast_in_dim3A_113 = arith.constant 0 : i32
    %broadcast_in_dim3A_114 = vector.broadcast %broadcast_in_dim3A_113 : i32 to vector<16xi32>
    %swap3A_115 = arith.constant 176 : index
    %swap3A_116 = tpu.vector_load %arg6[%swap3A_115] {strides = array<i32>} : memref<640xi32, #tpu.memory_space<vmem>>, vector<16xi32>,
    %swap3A_117 = vector.shape_cast %swap3A_116 : vector<16xi32> to vector<16xi32>
    %swap3A_118 = vector.shape_cast %broadcast_in_dim3A_114 : vector<16xi32> to vector<16xi32>
    tpu.vector_store %arg6[%swap3A_115], %swap3A_118 {strides = array<i32>} : memref<640xi32, #tpu.memory_space<vmem>>, vector<16xi32>,
    %broadcast_in_dim3A_119 = arith.constant 0 : i32
    %broadcast_in_dim3A_120 = vector.broadcast %broadcast_in_dim3A_119 : i32 to vector<16xi32>
    %swap3A_121 = arith.constant 192 : index
    %swap3A_122 = tpu.vector_load %arg6[%swap3A_121] {strides = array<i32>} : memref<640xi32, #tpu.memory_space<vmem>>, vector<16xi32>,
    %swap3A_123 = vector.shape_cast %swap3A_122 : vector<16xi32> to vector<16xi32>
    %swap3A_124 = vector.shape_cast %broadcast_in_dim3A_120 : vector<16xi32> to vector<16xi32>
    tpu.vector_store %arg6[%swap3A_121], %swap3A_124 {strides = array<i32>} : memref<640xi32, #tpu.memory_space<vmem>>, vector<16xi32>,
    %broadcast_in_dim3A_125 = arith.constant 0 : i32
    %broadcast_in_dim3A_126 = vector.broadcast %broadcast_in_dim3A_125 : i32 to vector<16xi32>
    %swap3A_127 = arith.constant 208 : index
    %swap3A_128 = tpu.vector_load %arg6[%swap3A_127] {strides = array<i32>} : memref<640xi32, #tpu.memory_space<vmem>>, vector<16xi32>,
    %swap3A_129 = vector.shape_cast %swap3A_128 : vector<16xi32> to vector<16xi32>
    %swap3A_130 = vector.shape_cast %broadcast_in_dim3A_126 : vector<16xi32> to vector<16xi32>
    tpu.vector_store %arg6[%swap3A_127], %swap3A_130 {strides = array<i32>} : memref<640xi32, #tpu.memory_space<vmem>>, vector<16xi32>,
    %broadcast_in_dim3A_131 = arith.constant 0 : i32
    %broadcast_in_dim3A_132 = vector.broadcast %broadcast_in_dim3A_131 : i32 to vector<16xi32>
    %swap3A_133 = arith.constant 224 : index
    %swap3A_134 = tpu.vector_load %arg6[%swap3A_133] {strides = array<i32>} : memref<640xi32, #tpu.memory_space<vmem>>, vector<16xi32>,
    %swap3A_135 = vector.shape_cast %swap3A_134 : vector<16xi32> to vector<16xi32>
    %swap3A_136 = vector.shape_cast %broadcast_in_dim3A_132 : vector<16xi32> to vector<16xi32>
    tpu.vector_store %arg6[%swap3A_133], %swap3A_136 {strides = array<i32>} : memref<640xi32, #tpu.memory_space<vmem>>, vector<16xi32>,
    %broadcast_in_dim3A_137 = arith.constant 0 : i32
    %broadcast_in_dim3A_138 = vector.broadcast %broadcast_in_dim3A_137 : i32 to vector<16xi32>
    %swap3A_139 = arith.constant 240 : index
    %swap3A_140 = tpu.vector_load %arg6[%swap3A_139] {strides = array<i32>} : memref<640xi32, #tpu.memory_space<vmem>>, vector<16xi32>,
    %swap3A_141 = vector.shape_cast %swap3A_140 : vector<16xi32> to vector<16xi32>
    %swap3A_142 = vector.shape_cast %broadcast_in_dim3A_138 : vector<16xi32> to vector<16xi32>
    tpu.vector_store %arg6[%swap3A_139], %swap3A_142 {strides = array<i32>} : memref<640xi32, #tpu.memory_space<vmem>>, vector<16xi32>,
    %broadcast_in_dim3A_143 = arith.constant 0 : i32
    %broadcast_in_dim3A_144 = vector.broadcast %broadcast_in_dim3A_143 : i32 to vector<16xi32>
    %swap3A_145 = arith.constant 256 : index
    %swap3A_146 = tpu.vector_load %arg6[%swap3A_145] {strides = array<i32>} : memref<640xi32, #tpu.memory_space<vmem>>, vector<16xi32>,
    %swap3A_147 = vector.shape_cast %swap3A_146 : vector<16xi32> to vector<16xi32>
    %swap3A_148 = vector.shape_cast %broadcast_in_dim3A_144 : vector<16xi32> to vector<16xi32>
    tpu.vector_store %arg6[%swap3A_145], %swap3A_148 {strides = array<i32>} : memref<640xi32, #tpu.memory_space<vmem>>, vector<16xi32>,
    %broadcast_in_dim3A_149 = arith.constant 0 : i32
    %broadcast_in_dim3A_150 = vector.broadcast %broadcast_in_dim3A_149 : i32 to vector<16xi32>
    %swap3A_151 = arith.constant 272 : index
    %swap3A_152 = tpu.vector_load %arg6[%swap3A_151] {strides = array<i32>} : memref<640xi32, #tpu.memory_space<vmem>>, vector<16xi32>,
    %swap3A_153 = vector.shape_cast %swap3A_152 : vector<16xi32> to vector<16xi32>
    %swap3A_154 = vector.shape_cast %broadcast_in_dim3A_150 : vector<16xi32> to vector<16xi32>
    tpu.vector_store %arg6[%swap3A_151], %swap3A_154 {strides = array<i32>} : memref<640xi32, #tpu.memory_space<vmem>>, vector<16xi32>,
    %broadcast_in_dim3A_155 = arith.constant 0 : i32
    %broadcast_in_dim3A_156 = vector.broadcast %broadcast_in_dim3A_155 : i32 to vector<16xi32>
    %swap3A_157 = arith.constant 288 : index
    %swap3A_158 = tpu.vector_load %arg6[%swap3A_157] {strides = array<i32>} : memref<640xi32, #tpu.memory_space<vmem>>, vector<16xi32>,
    %swap3A_159 = vector.shape_cast %swap3A_158 : vector<16xi32> to vector<16xi32>
    %swap3A_160 = vector.shape_cast %broadcast_in_dim3A_156 : vector<16xi32> to vector<16xi32>
    tpu.vector_store %arg6[%swap3A_157], %swap3A_160 {strides = array<i32>} : memref<640xi32, #tpu.memory_space<vmem>>, vector<16xi32>,
    %broadcast_in_dim3A_161 = arith.constant 0 : i32
    %broadcast_in_dim3A_162 = vector.broadcast %broadcast_in_dim3A_161 : i32 to vector<16xi32>
    %swap3A_163 = arith.constant 304 : index
    %swap3A_164 = tpu.vector_load %arg6[%swap3A_163] {strides = array<i32>} : memref<640xi32, #tpu.memory_space<vmem>>, vector<16xi32>,
    %swap3A_165 = vector.shape_cast %swap3A_164 : vector<16xi32> to vector<16xi32>
    %swap3A_166 = vector.shape_cast %broadcast_in_dim3A_162 : vector<16xi32> to vector<16xi32>
    tpu.vector_store %arg6[%swap3A_163], %swap3A_166 {strides = array<i32>} : memref<640xi32, #tpu.memory_space<vmem>>, vector<16xi32>,
    %broadcast_in_dim3A_167 = arith.constant 0 : i32
    %broadcast_in_dim3A_168 = vector.broadcast %broadcast_in_dim3A_167 : i32 to vector<16xi32>
    %swap3A_169 = arith.constant 320 : index
    %swap3A_170 = tpu.vector_load %arg6[%swap3A_169] {strides = array<i32>} : memref<640xi32, #tpu.memory_space<vmem>>, vector<16xi32>,
    %swap3A_171 = vector.shape_cast %swap3A_170 : vector<16xi32> to vector<16xi32>
    %swap3A_172 = vector.shape_cast %broadcast_in_dim3A_168 : vector<16xi32> to vector<16xi32>
    tpu.vector_store %arg6[%swap3A_169], %swap3A_172 {strides = array<i32>} : memref<640xi32, #tpu.memory_space<vmem>>, vector<16xi32>,
    %broadcast_in_dim3A_173 = arith.constant 0 : i32
    %broadcast_in_dim3A_174 = vector.broadcast %broadcast_in_dim3A_173 : i32 to vector<16xi32>
    %swap3A_175 = arith.constant 336 : index
    %swap3A_176 = tpu.vector_load %arg6[%swap3A_175] {strides = array<i32>} : memref<640xi32, #tpu.memory_space<vmem>>, vector<16xi32>,
    %swap3A_177 = vector.shape_cast %swap3A_176 : vector<16xi32> to vector<16xi32>
    %swap3A_178 = vector.shape_cast %broadcast_in_dim3A_174 : vector<16xi32> to vector<16xi32>
    tpu.vector_store %arg6[%swap3A_175], %swap3A_178 {strides = array<i32>} : memref<640xi32, #tpu.memory_space<vmem>>, vector<16xi32>,
    %broadcast_in_dim3A_179 = arith.constant 0 : i32
    %broadcast_in_dim3A_180 = vector.broadcast %broadcast_in_dim3A_179 : i32 to vector<16xi32>
    %swap3A_181 = arith.constant 352 : index
    %swap3A_182 = tpu.vector_load %arg6[%swap3A_181] {strides = array<i32>} : memref<640xi32, #tpu.memory_space<vmem>>, vector<16xi32>,
    %swap3A_183 = vector.shape_cast %swap3A_182 : vector<16xi32> to vector<16xi32>
    %swap3A_184 = vector.shape_cast %broadcast_in_dim3A_180 : vector<16xi32> to vector<16xi32>
    tpu.vector_store %arg6[%swap3A_181], %swap3A_184 {strides = array<i32>} : memref<640xi32, #tpu.memory_space<vmem>>, vector<16xi32>,
    %broadcast_in_dim3A_185 = arith.constant 0 : i32
    %broadcast_in_dim3A_186 = vector.broadcast %broadcast_in_dim3A_185 : i32 to vector<16xi32>
    %swap3A_187 = arith.constant 368 : index
    %swap3A_188 = tpu.vector_load %arg6[%swap3A_187] {strides = array<i32>} : memref<640xi32, #tpu.memory_space<vmem>>, vector<16xi32>,
    %swap3A_189 = vector.shape_cast %swap3A_188 : vector<16xi32> to vector<16xi32>
    %swap3A_190 = vector.shape_cast %broadcast_in_dim3A_186 : vector<16xi32> to vector<16xi32>
    tpu.vector_store %arg6[%swap3A_187], %swap3A_190 {strides = array<i32>} : memref<640xi32, #tpu.memory_space<vmem>>, vector<16xi32>,
    %broadcast_in_dim3A_191 = arith.constant 0 : i32
    %broadcast_in_dim3A_192 = vector.broadcast %broadcast_in_dim3A_191 : i32 to vector<16xi32>
    %swap3A_193 = arith.constant 384 : index
    %swap3A_194 = tpu.vector_load %arg6[%swap3A_193] {strides = array<i32>} : memref<640xi32, #tpu.memory_space<vmem>>, vector<16xi32>,
    %swap3A_195 = vector.shape_cast %swap3A_194 : vector<16xi32> to vector<16xi32>
    %swap3A_196 = vector.shape_cast %broadcast_in_dim3A_192 : vector<16xi32> to vector<16xi32>
    tpu.vector_store %arg6[%swap3A_193], %swap3A_196 {strides = array<i32>} : memref<640xi32, #tpu.memory_space<vmem>>, vector<16xi32>,
    %broadcast_in_dim3A_197 = arith.constant 0 : i32
    %broadcast_in_dim3A_198 = vector.broadcast %broadcast_in_dim3A_197 : i32 to vector<16xi32>
    %swap3A_199 = arith.constant 400 : index
    %swap3A_200 = tpu.vector_load %arg6[%swap3A_199] {strides = array<i32>} : memref<640xi32, #tpu.memory_space<vmem>>, vector<16xi32>,
    %swap3A_201 = vector.shape_cast %swap3A_200 : vector<16xi32> to vector<16xi32>
    %swap3A_202 = vector.shape_cast %broadcast_in_dim3A_198 : vector<16xi32> to vector<16xi32>
    tpu.vector_store %arg6[%swap3A_199], %swap3A_202 {strides = array<i32>} : memref<640xi32, #tpu.memory_space<vmem>>, vector<16xi32>,
    %broadcast_in_dim3A_203 = arith.constant 0 : i32
    %broadcast_in_dim3A_204 = vector.broadcast %broadcast_in_dim3A_203 : i32 to vector<16xi32>
    %swap3A_205 = arith.constant 416 : index
    %swap3A_206 = tpu.vector_load %arg6[%swap3A_205] {strides = array<i32>} : memref<640xi32, #tpu.memory_space<vmem>>, vector<16xi32>,
    %swap3A_207 = vector.shape_cast %swap3A_206 : vector<16xi32> to vector<16xi32>
    %swap3A_208 = vector.shape_cast %broadcast_in_dim3A_204 : vector<16xi32> to vector<16xi32>
    tpu.vector_store %arg6[%swap3A_205], %swap3A_208 {strides = array<i32>} : memref<640xi32, #tpu.memory_space<vmem>>, vector<16xi32>,
    %broadcast_in_dim3A_209 = arith.constant 0 : i32
    %broadcast_in_dim3A_210 = vector.broadcast %broadcast_in_dim3A_209 : i32 to vector<16xi32>
    %swap3A_211 = arith.constant 432 : index
    %swap3A_212 = tpu.vector_load %arg6[%swap3A_211] {strides = array<i32>} : memref<640xi32, #tpu.memory_space<vmem>>, vector<16xi32>,
    %swap3A_213 = vector.shape_cast %swap3A_212 : vector<16xi32> to vector<16xi32>
    %swap3A_214 = vector.shape_cast %broadcast_in_dim3A_210 : vector<16xi32> to vector<16xi32>
    tpu.vector_store %arg6[%swap3A_211], %swap3A_214 {strides = array<i32>} : memref<640xi32, #tpu.memory_space<vmem>>, vector<16xi32>,
    %broadcast_in_dim3A_215 = arith.constant 0 : i32
    %broadcast_in_dim3A_216 = vector.broadcast %broadcast_in_dim3A_215 : i32 to vector<16xi32>
    %swap3A_217 = arith.constant 448 : index
    %swap3A_218 = tpu.vector_load %arg6[%swap3A_217] {strides = array<i32>} : memref<640xi32, #tpu.memory_space<vmem>>, vector<16xi32>,
    %swap3A_219 = vector.shape_cast %swap3A_218 : vector<16xi32> to vector<16xi32>
    %swap3A_220 = vector.shape_cast %broadcast_in_dim3A_216 : vector<16xi32> to vector<16xi32>
    tpu.vector_store %arg6[%swap3A_217], %swap3A_220 {strides = array<i32>} : memref<640xi32, #tpu.memory_space<vmem>>, vector<16xi32>,
    %broadcast_in_dim3A_221 = arith.constant 0 : i32
    %broadcast_in_dim3A_222 = vector.broadcast %broadcast_in_dim3A_221 : i32 to vector<16xi32>
    %swap3A_223 = arith.constant 464 : index
    %swap3A_224 = tpu.vector_load %arg6[%swap3A_223] {strides = array<i32>} : memref<640xi32, #tpu.memory_space<vmem>>, vector<16xi32>,
    %swap3A_225 = vector.shape_cast %swap3A_224 : vector<16xi32> to vector<16xi32>
    %swap3A_226 = vector.shape_cast %broadcast_in_dim3A_222 : vector<16xi32> to vector<16xi32>
    tpu.vector_store %arg6[%swap3A_223], %swap3A_226 {strides = array<i32>} : memref<640xi32, #tpu.memory_space<vmem>>, vector<16xi32>,
    %broadcast_in_dim3A_227 = arith.constant 0 : i32
    %broadcast_in_dim3A_228 = vector.broadcast %broadcast_in_dim3A_227 : i32 to vector<16xi32>
    %swap3A_229 = arith.constant 480 : index
    %swap3A_230 = tpu.vector_load %arg6[%swap3A_229] {strides = array<i32>} : memref<640xi32, #tpu.memory_space<vmem>>, vector<16xi32>,
    %swap3A_231 = vector.shape_cast %swap3A_230 : vector<16xi32> to vector<16xi32>
    %swap3A_232 = vector.shape_cast %broadcast_in_dim3A_228 : vector<16xi32> to vector<16xi32>
    tpu.vector_store %arg6[%swap3A_229], %swap3A_232 {strides = array<i32>} : memref<640xi32, #tpu.memory_space<vmem>>, vector<16xi32>,
    %broadcast_in_dim3A_233 = arith.constant 0 : i32
    %broadcast_in_dim3A_234 = vector.broadcast %broadcast_in_dim3A_233 : i32 to vector<16xi32>
    %swap3A_235 = arith.constant 496 : index
    %swap3A_236 = tpu.vector_load %arg6[%swap3A_235] {strides = array<i32>} : memref<640xi32, #tpu.memory_space<vmem>>, vector<16xi32>,
    %swap3A_237 = vector.shape_cast %swap3A_236 : vector<16xi32> to vector<16xi32>
    %swap3A_238 = vector.shape_cast %broadcast_in_dim3A_234 : vector<16xi32> to vector<16xi32>
    tpu.vector_store %arg6[%swap3A_235], %swap3A_238 {strides = array<i32>} : memref<640xi32, #tpu.memory_space<vmem>>, vector<16xi32>,
    %broadcast_in_dim3A_239 = arith.constant 0 : i32
    %broadcast_in_dim3A_240 = vector.broadcast %broadcast_in_dim3A_239 : i32 to vector<16xi32>
    %swap3A_241 = arith.constant 512 : index
    %swap3A_242 = tpu.vector_load %arg6[%swap3A_241] {strides = array<i32>} : memref<640xi32, #tpu.memory_space<vmem>>, vector<16xi32>,
    %swap3A_243 = vector.shape_cast %swap3A_242 : vector<16xi32> to vector<16xi32>
    %swap3A_244 = vector.shape_cast %broadcast_in_dim3A_240 : vector<16xi32> to vector<16xi32>
    tpu.vector_store %arg6[%swap3A_241], %swap3A_244 {strides = array<i32>} : memref<640xi32, #tpu.memory_space<vmem>>, vector<16xi32>,
    %broadcast_in_dim3A_245 = arith.constant 0 : i32
    %broadcast_in_dim3A_246 = vector.broadcast %broadcast_in_dim3A_245 : i32 to vector<16xi32>
    %swap3A_247 = arith.constant 528 : index
    %swap3A_248 = tpu.vector_load %arg6[%swap3A_247] {strides = array<i32>} : memref<640xi32, #tpu.memory_space<vmem>>, vector<16xi32>,
    %swap3A_249 = vector.shape_cast %swap3A_248 : vector<16xi32> to vector<16xi32>
    %swap3A_250 = vector.shape_cast %broadcast_in_dim3A_246 : vector<16xi32> to vector<16xi32>
    tpu.vector_store %arg6[%swap3A_247], %swap3A_250 {strides = array<i32>} : memref<640xi32, #tpu.memory_space<vmem>>, vector<16xi32>,
    %broadcast_in_dim3A_251 = arith.constant 0 : i32
    %broadcast_in_dim3A_252 = vector.broadcast %broadcast_in_dim3A_251 : i32 to vector<16xi32>
    %swap3A_253 = arith.constant 544 : index
    %swap3A_254 = tpu.vector_load %arg6[%swap3A_253] {strides = array<i32>} : memref<640xi32, #tpu.memory_space<vmem>>, vector<16xi32>,
    %swap3A_255 = vector.shape_cast %swap3A_254 : vector<16xi32> to vector<16xi32>
    %swap3A_256 = vector.shape_cast %broadcast_in_dim3A_252 : vector<16xi32> to vector<16xi32>
    tpu.vector_store %arg6[%swap3A_253], %swap3A_256 {strides = array<i32>} : memref<640xi32, #tpu.memory_space<vmem>>, vector<16xi32>,
    %broadcast_in_dim3A_257 = arith.constant 0 : i32
    %broadcast_in_dim3A_258 = vector.broadcast %broadcast_in_dim3A_257 : i32 to vector<16xi32>
    %swap3A_259 = arith.constant 560 : index
    %swap3A_260 = tpu.vector_load %arg6[%swap3A_259] {strides = array<i32>} : memref<640xi32, #tpu.memory_space<vmem>>, vector<16xi32>,
    %swap3A_261 = vector.shape_cast %swap3A_260 : vector<16xi32> to vector<16xi32>
    %swap3A_262 = vector.shape_cast %broadcast_in_dim3A_258 : vector<16xi32> to vector<16xi32>
    tpu.vector_store %arg6[%swap3A_259], %swap3A_262 {strides = array<i32>} : memref<640xi32, #tpu.memory_space<vmem>>, vector<16xi32>,
    %broadcast_in_dim3A_263 = arith.constant 0 : i32
    %broadcast_in_dim3A_264 = vector.broadcast %broadcast_in_dim3A_263 : i32 to vector<16xi32>
    %swap3A_265 = arith.constant 576 : index
    %swap3A_266 = tpu.vector_load %arg6[%swap3A_265] {strides = array<i32>} : memref<640xi32, #tpu.memory_space<vmem>>, vector<16xi32>,
    %swap3A_267 = vector.shape_cast %swap3A_266 : vector<16xi32> to vector<16xi32>
    %swap3A_268 = vector.shape_cast %broadcast_in_dim3A_264 : vector<16xi32> to vector<16xi32>
    tpu.vector_store %arg6[%swap3A_265], %swap3A_268 {strides = array<i32>} : memref<640xi32, #tpu.memory_space<vmem>>, vector<16xi32>,
    %broadcast_in_dim3A_269 = arith.constant 0 : i32
    %broadcast_in_dim3A_270 = vector.broadcast %broadcast_in_dim3A_269 : i32 to vector<16xi32>
    %swap3A_271 = arith.constant 592 : index
    %swap3A_272 = tpu.vector_load %arg6[%swap3A_271] {strides = array<i32>} : memref<640xi32, #tpu.memory_space<vmem>>, vector<16xi32>,
    %swap3A_273 = vector.shape_cast %swap3A_272 : vector<16xi32> to vector<16xi32>
    %swap3A_274 = vector.shape_cast %broadcast_in_dim3A_270 : vector<16xi32> to vector<16xi32>
    tpu.vector_store %arg6[%swap3A_271], %swap3A_274 {strides = array<i32>} : memref<640xi32, #tpu.memory_space<vmem>>, vector<16xi32>,
    %broadcast_in_dim3A_275 = arith.constant 0 : i32
    %broadcast_in_dim3A_276 = vector.broadcast %broadcast_in_dim3A_275 : i32 to vector<16xi32>
    %swap3A_277 = arith.constant 608 : index
    %swap3A_278 = tpu.vector_load %arg6[%swap3A_277] {strides = array<i32>} : memref<640xi32, #tpu.memory_space<vmem>>, vector<16xi32>,
    %swap3A_279 = vector.shape_cast %swap3A_278 : vector<16xi32> to vector<16xi32>
    %swap3A_280 = vector.shape_cast %broadcast_in_dim3A_276 : vector<16xi32> to vector<16xi32>
    tpu.vector_store %arg6[%swap3A_277], %swap3A_280 {strides = array<i32>} : memref<640xi32, #tpu.memory_space<vmem>>, vector<16xi32>,
    %broadcast_in_dim3A_281 = arith.constant 0 : i32
    %broadcast_in_dim3A_282 = vector.broadcast %broadcast_in_dim3A_281 : i32 to vector<16xi32>
    %swap3A_283 = arith.constant 624 : index
    %swap3A_284 = tpu.vector_load %arg6[%swap3A_283] {strides = array<i32>} : memref<640xi32, #tpu.memory_space<vmem>>, vector<16xi32>,
    %swap3A_285 = vector.shape_cast %swap3A_284 : vector<16xi32> to vector<16xi32>
    %swap3A_286 = vector.shape_cast %broadcast_in_dim3A_282 : vector<16xi32> to vector<16xi32>
    tpu.vector_store %arg6[%swap3A_283], %swap3A_286 {strides = array<i32>} : memref<640xi32, #tpu.memory_space<vmem>>, vector<16xi32>,
    %mul3A_287 = arith.constant 640 : i32
    %mul3A_288 = arith.muli %arg1, %mul3A_287 : i32
    "tpu.region"() ({
      %run_scoped3A = tpu.sem_alloc : memref<!tpu.dma_semaphore, #tpu.memory_space<semaphore_mem>>
      %dma_start3A = tpu.memref_slice %arg7[%mul3A_288] : memref<10240xi32, #tpu.memory_space<vmem_shared>> -> memref<640xi32, #tpu.memory_space<vmem_shared>>
      %dma_start3A_320 = tpu.memref_slice %arg7[%mul3A_288] : memref<10240xi32, #tpu.memory_space<vmem_shared>> -> memref<640xi32, #tpu.memory_space<vmem_shared>>
      tpu.enqueue_dma source(%arg6 : memref<640xi32, #tpu.memory_space<vmem>>) target(%dma_start3A_320 : memref<640xi32, #tpu.memory_space<vmem_shared>>) target_semaphore(%run_scoped3A : memref<!tpu.dma_semaphore, #tpu.memory_space<semaphore_mem>>)
      %dma_wait3A = tpu.memref_slice %arg7[%mul3A_288] : memref<10240xi32, #tpu.memory_space<vmem_shared>> -> memref<640xi32, #tpu.memory_space<vmem_shared>>
      %dma_wait3A_321 = tpu.memref_slice %arg7[%mul3A_288] : memref<10240xi32, #tpu.memory_space<vmem_shared>> -> memref<640xi32, #tpu.memory_space<vmem_shared>>
      tpu.wait_dma2 semaphore(%run_scoped3A : memref<!tpu.dma_semaphore, #tpu.memory_space<semaphore_mem>>) src(%arg6 : memref<640xi32, #tpu.memory_space<vmem>>) dst(%dma_wait3A_321 : memref<640xi32, #tpu.memory_space<vmem_shared>>)
      tpu.yield
    }) : () -> ()
    %lt3A = arith.constant 31 : i32
    %lt3A_289 = arith.cmpi slt, %add3A, %lt3A : i32
    %jit3A = arith.constant 4 : i32
    %jit3A_290 = arith.constant 1 : i32
    %select_n3A = arith.select %lt3A_289, %jit3A, %jit3A_290 : i32
    %while3A = arith.constant 0 : i32
    %while3A_291 = arith.constant 0 : i32
    %while3A_292 = arith.subi %select_n3A, %while3A_291 : i32
    %while3A_293 = arith.addi %while3A_291, %while3A_292 : i32
    %while3A_294 = arith.constant 1 : i32
    %while3A_295 = arith.divsi %while3A_292, %while3A_294 : i32
    %while3A_296 = arith.muli %while3A_295, %while3A_294 : i32
    %while3A_297 = arith.addi %while3A_291, %while3A_296 : i32
    %while3A_298 = arith.constant 1 : i32
    scf.for %while3A_320 = %while3A_291 to %while3A_297 step %while3A_298  : i32 {
      %mul3A_321 = arith.constant 40 : i32
      %mul3A_322 = arith.muli %add3A, %mul3A_321 : i32
      %mul3A_323 = arith.constant 10 : i32
      %mul3A_324 = arith.muli %while3A_320, %mul3A_323 : i32
      %add3A_325 = arith.addi %mul3A_322, %mul3A_324 : i32
      %add3A_326 = arith.constant 0 : i32
      %add3A_327 = arith.addi %add3A_325, %add3A_326 : i32
      %mul3A_328 = arith.constant 128 : i32
      %mul3A_329 = arith.muli %add3A_327, %mul3A_328 : i32
      %mul3A_330 = arith.constant 10 : i32
      %mul3A_331 = arith.muli %while3A_320, %mul3A_330 : i32
      %add3A_332 = arith.constant 0 : i32
      %add3A_333 = arith.addi %mul3A_331, %add3A_332 : i32
      %mul3A_334 = arith.constant 2 : i32
      %mul3A_335 = arith.muli %mul3A_334, %add3A_333 : i32
      %dma_start3A = arith.constant 0 : i32
      %dma_start3A_336 = tpu.memref_slice %arg4[%mul3A_335, %dma_start3A] : memref<80x128xi32, #tpu.memory_space<vmem>> -> memref<2x128xi32, #tpu.memory_space<vmem>>
      %dma_start3A_337 = arith.constant 0 : i32
      %dma_start3A_338 = tpu.memref_slice %arg2[%dma_start3A_337, %mul3A_329] : memref<2x160000xi32, #tpu.memory_space<hbm>> -> memref<2x128xi32, #tpu.memory_space<hbm>>
      %dma_start3A_339 = arith.constant 0 : i32
      %dma_start3A_340 = tpu.memref_slice %arg4[%mul3A_335, %dma_start3A_339] : memref<80x128xi32, #tpu.memory_space<vmem>> -> memref<2x128xi32, #tpu.memory_space<vmem>>
      %dma_start3A_341 = arith.constant 0 : i32
      %dma_start3A_342 = tpu.memref_slice %arg2[%dma_start3A_341, %mul3A_329] : memref<2x160000xi32, #tpu.memory_space<hbm>> -> memref<2x128xi32, #tpu.memory_space<hbm>>
      tpu.enqueue_dma source(%dma_start3A_342 : memref<2x128xi32, #tpu.memory_space<hbm>>) target(%dma_start3A_340 : memref<2x128xi32, #tpu.memory_space<vmem>>) target_semaphore(%arg8 : memref<!tpu.dma_semaphore, #tpu.memory_space<semaphore_mem>>)
      %mul3A_343 = arith.constant 40 : i32
      %mul3A_344 = arith.muli %add3A, %mul3A_343 : i32
      %mul3A_345 = arith.constant 10 : i32
      %mul3A_346 = arith.muli %while3A_320, %mul3A_345 : i32
      %add3A_347 = arith.addi %mul3A_344, %mul3A_346 : i32
      %add3A_348 = arith.constant 1 : i32
      %add3A_349 = arith.addi %add3A_347, %add3A_348 : i32
      %mul3A_350 = arith.constant 128 : i32
      %mul3A_351 = arith.muli %add3A_349, %mul3A_350 : i32
      %mul3A_352 = arith.constant 10 : i32
      %mul3A_353 = arith.muli %while3A_320, %mul3A_352 : i32
      %add3A_354 = arith.constant 1 : i32
      %add3A_355 = arith.addi %mul3A_353, %add3A_354 : i32
      %mul3A_356 = arith.constant 2 : i32
      %mul3A_357 = arith.muli %mul3A_356, %add3A_355 : i32
      %dma_start3A_358 = arith.constant 0 : i32
      %dma_start3A_359 = tpu.memref_slice %arg4[%mul3A_357, %dma_start3A_358] : memref<80x128xi32, #tpu.memory_space<vmem>> -> memref<2x128xi32, #tpu.memory_space<vmem>>
      %dma_start3A_360 = arith.constant 0 : i32
      %dma_start3A_361 = tpu.memref_slice %arg2[%dma_start3A_360, %mul3A_351] : memref<2x160000xi32, #tpu.memory_space<hbm>> -> memref<2x128xi32, #tpu.memory_space<hbm>>
      %dma_start3A_362 = arith.constant 0 : i32
      %dma_start3A_363 = tpu.memref_slice %arg4[%mul3A_357, %dma_start3A_362] : memref<80x128xi32, #tpu.memory_space<vmem>> -> memref<2x128xi32, #tpu.memory_space<vmem>>
      %dma_start3A_364 = arith.constant 0 : i32
      %dma_start3A_365 = tpu.memref_slice %arg2[%dma_start3A_364, %mul3A_351] : memref<2x160000xi32, #tpu.memory_space<hbm>> -> memref<2x128xi32, #tpu.memory_space<hbm>>
      tpu.enqueue_dma source(%dma_start3A_365 : memref<2x128xi32, #tpu.memory_space<hbm>>) target(%dma_start3A_363 : memref<2x128xi32, #tpu.memory_space<vmem>>) target_semaphore(%arg8 : memref<!tpu.dma_semaphore, #tpu.memory_space<semaphore_mem>>)
      %mul3A_366 = arith.constant 40 : i32
      %mul3A_367 = arith.muli %add3A, %mul3A_366 : i32
      %mul3A_368 = arith.constant 10 : i32
      %mul3A_369 = arith.muli %while3A_320, %mul3A_368 : i32
      %add3A_370 = arith.addi %mul3A_367, %mul3A_369 : i32
      %add3A_371 = arith.constant 2 : i32
      %add3A_372 = arith.addi %add3A_370, %add3A_371 : i32
      %mul3A_373 = arith.constant 128 : i32
      %mul3A_374 = arith.muli %add3A_372, %mul3A_373 : i32
      %mul3A_375 = arith.constant 10 : i32
      %mul3A_376 = arith.muli %while3A_320, %mul3A_375 : i32
      %add3A_377 = arith.constant 2 : i32
      %add3A_378 = arith.addi %mul3A_376, %add3A_377 : i32
      %mul3A_379 = arith.constant 2 : i32
      %mul3A_380 = arith.muli %mul3A_379, %add3A_378 : i32
      %dma_start3A_381 = arith.constant 0 : i32
      %dma_start3A_382 = tpu.memref_slice %arg4[%mul3A_380, %dma_start3A_381] : memref<80x128xi32, #tpu.memory_space<vmem>> -> memref<2x128xi32, #tpu.memory_space<vmem>>
      %dma_start3A_383 = arith.constant 0 : i32
      %dma_start3A_384 = tpu.memref_slice %arg2[%dma_start3A_383, %mul3A_374] : memref<2x160000xi32, #tpu.memory_space<hbm>> -> memref<2x128xi32, #tpu.memory_space<hbm>>
      %dma_start3A_385 = arith.constant 0 : i32
      %dma_start3A_386 = tpu.memref_slice %arg4[%mul3A_380, %dma_start3A_385] : memref<80x128xi32, #tpu.memory_space<vmem>> -> memref<2x128xi32, #tpu.memory_space<vmem>>
      %dma_start3A_387 = arith.constant 0 : i32
      %dma_start3A_388 = tpu.memref_slice %arg2[%dma_start3A_387, %mul3A_374] : memref<2x160000xi32, #tpu.memory_space<hbm>> -> memref<2x128xi32, #tpu.memory_space<hbm>>
      tpu.enqueue_dma source(%dma_start3A_388 : memref<2x128xi32, #tpu.memory_space<hbm>>) target(%dma_start3A_386 : memref<2x128xi32, #tpu.memory_space<vmem>>) target_semaphore(%arg8 : memref<!tpu.dma_semaphore, #tpu.memory_space<semaphore_mem>>)
      %mul3A_389 = arith.constant 40 : i32
      %mul3A_390 = arith.muli %add3A, %mul3A_389 : i32
      %mul3A_391 = arith.constant 10 : i32
      %mul3A_392 = arith.muli %while3A_320, %mul3A_391 : i32
      %add3A_393 = arith.addi %mul3A_390, %mul3A_392 : i32
      %add3A_394 = arith.constant 3 : i32
      %add3A_395 = arith.addi %add3A_393, %add3A_394 : i32
      %mul3A_396 = arith.constant 128 : i32
      %mul3A_397 = arith.muli %add3A_395, %mul3A_396 : i32
      %mul3A_398 = arith.constant 10 : i32
      %mul3A_399 = arith.muli %while3A_320, %mul3A_398 : i32
      %add3A_400 = arith.constant 3 : i32
      %add3A_401 = arith.addi %mul3A_399, %add3A_400 : i32
      %mul3A_402 = arith.constant 2 : i32
      %mul3A_403 = arith.muli %mul3A_402, %add3A_401 : i32
      %dma_start3A_404 = arith.constant 0 : i32
      %dma_start3A_405 = tpu.memref_slice %arg4[%mul3A_403, %dma_start3A_404] : memref<80x128xi32, #tpu.memory_space<vmem>> -> memref<2x128xi32, #tpu.memory_space<vmem>>
      %dma_start3A_406 = arith.constant 0 : i32
      %dma_start3A_407 = tpu.memref_slice %arg2[%dma_start3A_406, %mul3A_397] : memref<2x160000xi32, #tpu.memory_space<hbm>> -> memref<2x128xi32, #tpu.memory_space<hbm>>
      %dma_start3A_408 = arith.constant 0 : i32
      %dma_start3A_409 = tpu.memref_slice %arg4[%mul3A_403, %dma_start3A_408] : memref<80x128xi32, #tpu.memory_space<vmem>> -> memref<2x128xi32, #tpu.memory_space<vmem>>
      %dma_start3A_410 = arith.constant 0 : i32
      %dma_start3A_411 = tpu.memref_slice %arg2[%dma_start3A_410, %mul3A_397] : memref<2x160000xi32, #tpu.memory_space<hbm>> -> memref<2x128xi32, #tpu.memory_space<hbm>>
      tpu.enqueue_dma source(%dma_start3A_411 : memref<2x128xi32, #tpu.memory_space<hbm>>) target(%dma_start3A_409 : memref<2x128xi32, #tpu.memory_space<vmem>>) target_semaphore(%arg8 : memref<!tpu.dma_semaphore, #tpu.memory_space<semaphore_mem>>)
      %mul3A_412 = arith.constant 40 : i32
      %mul3A_413 = arith.muli %add3A, %mul3A_412 : i32
      %mul3A_414 = arith.constant 10 : i32
      %mul3A_415 = arith.muli %while3A_320, %mul3A_414 : i32
      %add3A_416 = arith.addi %mul3A_413, %mul3A_415 : i32
      %add3A_417 = arith.constant 4 : i32
      %add3A_418 = arith.addi %add3A_416, %add3A_417 : i32
      %mul3A_419 = arith.constant 128 : i32
      %mul3A_420 = arith.muli %add3A_418, %mul3A_419 : i32
      %mul3A_421 = arith.constant 10 : i32
      %mul3A_422 = arith.muli %while3A_320, %mul3A_421 : i32
      %add3A_423 = arith.constant 4 : i32
      %add3A_424 = arith.addi %mul3A_422, %add3A_423 : i32
      %mul3A_425 = arith.constant 2 : i32
      %mul3A_426 = arith.muli %mul3A_425, %add3A_424 : i32
      %dma_start3A_427 = arith.constant 0 : i32
      %dma_start3A_428 = tpu.memref_slice %arg4[%mul3A_426, %dma_start3A_427] : memref<80x128xi32, #tpu.memory_space<vmem>> -> memref<2x128xi32, #tpu.memory_space<vmem>>
      %dma_start3A_429 = arith.constant 0 : i32
      %dma_start3A_430 = tpu.memref_slice %arg2[%dma_start3A_429, %mul3A_420] : memref<2x160000xi32, #tpu.memory_space<hbm>> -> memref<2x128xi32, #tpu.memory_space<hbm>>
      %dma_start3A_431 = arith.constant 0 : i32
      %dma_start3A_432 = tpu.memref_slice %arg4[%mul3A_426, %dma_start3A_431] : memref<80x128xi32, #tpu.memory_space<vmem>> -> memref<2x128xi32, #tpu.memory_space<vmem>>
      %dma_start3A_433 = arith.constant 0 : i32
      %dma_start3A_434 = tpu.memref_slice %arg2[%dma_start3A_433, %mul3A_420] : memref<2x160000xi32, #tpu.memory_space<hbm>> -> memref<2x128xi32, #tpu.memory_space<hbm>>
      tpu.enqueue_dma source(%dma_start3A_434 : memref<2x128xi32, #tpu.memory_space<hbm>>) target(%dma_start3A_432 : memref<2x128xi32, #tpu.memory_space<vmem>>) target_semaphore(%arg8 : memref<!tpu.dma_semaphore, #tpu.memory_space<semaphore_mem>>)
      %mul3A_435 = arith.constant 40 : i32
      %mul3A_436 = arith.muli %add3A, %mul3A_435 : i32
      %mul3A_437 = arith.constant 10 : i32
      %mul3A_438 = arith.muli %while3A_320, %mul3A_437 : i32
      %add3A_439 = arith.addi %mul3A_436, %mul3A_438 : i32
      %add3A_440 = arith.constant 5 : i32
      %add3A_441 = arith.addi %add3A_439, %add3A_440 : i32
      %mul3A_442 = arith.constant 128 : i32
      %mul3A_443 = arith.muli %add3A_441, %mul3A_442 : i32
      %mul3A_444 = arith.constant 10 : i32
      %mul3A_445 = arith.muli %while3A_320, %mul3A_444 : i32
      %add3A_446 = arith.constant 5 : i32
      %add3A_447 = arith.addi %mul3A_445, %add3A_446 : i32
      %mul3A_448 = arith.constant 2 : i32
      %mul3A_449 = arith.muli %mul3A_448, %add3A_447 : i32
      %dma_start3A_450 = arith.constant 0 : i32
      %dma_start3A_451 = tpu.memref_slice %arg4[%mul3A_449, %dma_start3A_450] : memref<80x128xi32, #tpu.memory_space<vmem>> -> memref<2x128xi32, #tpu.memory_space<vmem>>
      %dma_start3A_452 = arith.constant 0 : i32
      %dma_start3A_453 = tpu.memref_slice %arg2[%dma_start3A_452, %mul3A_443] : memref<2x160000xi32, #tpu.memory_space<hbm>> -> memref<2x128xi32, #tpu.memory_space<hbm>>
      %dma_start3A_454 = arith.constant 0 : i32
      %dma_start3A_455 = tpu.memref_slice %arg4[%mul3A_449, %dma_start3A_454] : memref<80x128xi32, #tpu.memory_space<vmem>> -> memref<2x128xi32, #tpu.memory_space<vmem>>
      %dma_start3A_456 = arith.constant 0 : i32
      %dma_start3A_457 = tpu.memref_slice %arg2[%dma_start3A_456, %mul3A_443] : memref<2x160000xi32, #tpu.memory_space<hbm>> -> memref<2x128xi32, #tpu.memory_space<hbm>>
      tpu.enqueue_dma source(%dma_start3A_457 : memref<2x128xi32, #tpu.memory_space<hbm>>) target(%dma_start3A_455 : memref<2x128xi32, #tpu.memory_space<vmem>>) target_semaphore(%arg8 : memref<!tpu.dma_semaphore, #tpu.memory_space<semaphore_mem>>)
      %mul3A_458 = arith.constant 40 : i32
      %mul3A_459 = arith.muli %add3A, %mul3A_458 : i32
      %mul3A_460 = arith.constant 10 : i32
      %mul3A_461 = arith.muli %while3A_320, %mul3A_460 : i32
      %add3A_462 = arith.addi %mul3A_459, %mul3A_461 : i32
      %add3A_463 = arith.constant 6 : i32
      %add3A_464 = arith.addi %add3A_462, %add3A_463 : i32
      %mul3A_465 = arith.constant 128 : i32
      %mul3A_466 = arith.muli %add3A_464, %mul3A_465 : i32
      %mul3A_467 = arith.constant 10 : i32
      %mul3A_468 = arith.muli %while3A_320, %mul3A_467 : i32
      %add3A_469 = arith.constant 6 : i32
      %add3A_470 = arith.addi %mul3A_468, %add3A_469 : i32
      %mul3A_471 = arith.constant 2 : i32
      %mul3A_472 = arith.muli %mul3A_471, %add3A_470 : i32
      %dma_start3A_473 = arith.constant 0 : i32
      %dma_start3A_474 = tpu.memref_slice %arg4[%mul3A_472, %dma_start3A_473] : memref<80x128xi32, #tpu.memory_space<vmem>> -> memref<2x128xi32, #tpu.memory_space<vmem>>
      %dma_start3A_475 = arith.constant 0 : i32
      %dma_start3A_476 = tpu.memref_slice %arg2[%dma_start3A_475, %mul3A_466] : memref<2x160000xi32, #tpu.memory_space<hbm>> -> memref<2x128xi32, #tpu.memory_space<hbm>>
      %dma_start3A_477 = arith.constant 0 : i32
      %dma_start3A_478 = tpu.memref_slice %arg4[%mul3A_472, %dma_start3A_477] : memref<80x128xi32, #tpu.memory_space<vmem>> -> memref<2x128xi32, #tpu.memory_space<vmem>>
      %dma_start3A_479 = arith.constant 0 : i32
      %dma_start3A_480 = tpu.memref_slice %arg2[%dma_start3A_479, %mul3A_466] : memref<2x160000xi32, #tpu.memory_space<hbm>> -> memref<2x128xi32, #tpu.memory_space<hbm>>
      tpu.enqueue_dma source(%dma_start3A_480 : memref<2x128xi32, #tpu.memory_space<hbm>>) target(%dma_start3A_478 : memref<2x128xi32, #tpu.memory_space<vmem>>) target_semaphore(%arg8 : memref<!tpu.dma_semaphore, #tpu.memory_space<semaphore_mem>>)
      %mul3A_481 = arith.constant 40 : i32
      %mul3A_482 = arith.muli %add3A, %mul3A_481 : i32
      %mul3A_483 = arith.constant 10 : i32
      %mul3A_484 = arith.muli %while3A_320, %mul3A_483 : i32
      %add3A_485 = arith.addi %mul3A_482, %mul3A_484 : i32
      %add3A_486 = arith.constant 7 : i32
      %add3A_487 = arith.addi %add3A_485, %add3A_486 : i32
      %mul3A_488 = arith.constant 128 : i32
      %mul3A_489 = arith.muli %add3A_487, %mul3A_488 : i32
      %mul3A_490 = arith.constant 10 : i32
      %mul3A_491 = arith.muli %while3A_320, %mul3A_490 : i32
      %add3A_492 = arith.constant 7 : i32
      %add3A_493 = arith.addi %mul3A_491, %add3A_492 : i32
      %mul3A_494 = arith.constant 2 : i32
      %mul3A_495 = arith.muli %mul3A_494, %add3A_493 : i32
      %dma_start3A_496 = arith.constant 0 : i32
      %dma_start3A_497 = tpu.memref_slice %arg4[%mul3A_495, %dma_start3A_496] : memref<80x128xi32, #tpu.memory_space<vmem>> -> memref<2x128xi32, #tpu.memory_space<vmem>>
      %dma_start3A_498 = arith.constant 0 : i32
      %dma_start3A_499 = tpu.memref_slice %arg2[%dma_start3A_498, %mul3A_489] : memref<2x160000xi32, #tpu.memory_space<hbm>> -> memref<2x128xi32, #tpu.memory_space<hbm>>
      %dma_start3A_500 = arith.constant 0 : i32
      %dma_start3A_501 = tpu.memref_slice %arg4[%mul3A_495, %dma_start3A_500] : memref<80x128xi32, #tpu.memory_space<vmem>> -> memref<2x128xi32, #tpu.memory_space<vmem>>
      %dma_start3A_502 = arith.constant 0 : i32
      %dma_start3A_503 = tpu.memref_slice %arg2[%dma_start3A_502, %mul3A_489] : memref<2x160000xi32, #tpu.memory_space<hbm>> -> memref<2x128xi32, #tpu.memory_space<hbm>>
      tpu.enqueue_dma source(%dma_start3A_503 : memref<2x128xi32, #tpu.memory_space<hbm>>) target(%dma_start3A_501 : memref<2x128xi32, #tpu.memory_space<vmem>>) target_semaphore(%arg8 : memref<!tpu.dma_semaphore, #tpu.memory_space<semaphore_mem>>)
      %mul3A_504 = arith.constant 40 : i32
      %mul3A_505 = arith.muli %add3A, %mul3A_504 : i32
      %mul3A_506 = arith.constant 10 : i32
      %mul3A_507 = arith.muli %while3A_320, %mul3A_506 : i32
      %add3A_508 = arith.addi %mul3A_505, %mul3A_507 : i32
      %add3A_509 = arith.constant 8 : i32
      %add3A_510 = arith.addi %add3A_508, %add3A_509 : i32
      %mul3A_511 = arith.constant 128 : i32
      %mul3A_512 = arith.muli %add3A_510, %mul3A_511 : i32
      %mul3A_513 = arith.constant 10 : i32
      %mul3A_514 = arith.muli %while3A_320, %mul3A_513 : i32
      %add3A_515 = arith.constant 8 : i32
      %add3A_516 = arith.addi %mul3A_514, %add3A_515 : i32
      %mul3A_517 = arith.constant 2 : i32
      %mul3A_518 = arith.muli %mul3A_517, %add3A_516 : i32
      %dma_start3A_519 = arith.constant 0 : i32
      %dma_start3A_520 = tpu.memref_slice %arg4[%mul3A_518, %dma_start3A_519] : memref<80x128xi32, #tpu.memory_space<vmem>> -> memref<2x128xi32, #tpu.memory_space<vmem>>
      %dma_start3A_521 = arith.constant 0 : i32
      %dma_start3A_522 = tpu.memref_slice %arg2[%dma_start3A_521, %mul3A_512] : memref<2x160000xi32, #tpu.memory_space<hbm>> -> memref<2x128xi32, #tpu.memory_space<hbm>>
      %dma_start3A_523 = arith.constant 0 : i32
      %dma_start3A_524 = tpu.memref_slice %arg4[%mul3A_518, %dma_start3A_523] : memref<80x128xi32, #tpu.memory_space<vmem>> -> memref<2x128xi32, #tpu.memory_space<vmem>>
      %dma_start3A_525 = arith.constant 0 : i32
      %dma_start3A_526 = tpu.memref_slice %arg2[%dma_start3A_525, %mul3A_512] : memref<2x160000xi32, #tpu.memory_space<hbm>> -> memref<2x128xi32, #tpu.memory_space<hbm>>
      tpu.enqueue_dma source(%dma_start3A_526 : memref<2x128xi32, #tpu.memory_space<hbm>>) target(%dma_start3A_524 : memref<2x128xi32, #tpu.memory_space<vmem>>) target_semaphore(%arg8 : memref<!tpu.dma_semaphore, #tpu.memory_space<semaphore_mem>>)
      %mul3A_527 = arith.constant 40 : i32
      %mul3A_528 = arith.muli %add3A, %mul3A_527 : i32
      %mul3A_529 = arith.constant 10 : i32
      %mul3A_530 = arith.muli %while3A_320, %mul3A_529 : i32
      %add3A_531 = arith.addi %mul3A_528, %mul3A_530 : i32
      %add3A_532 = arith.constant 9 : i32
      %add3A_533 = arith.addi %add3A_531, %add3A_532 : i32
      %mul3A_534 = arith.constant 128 : i32
      %mul3A_535 = arith.muli %add3A_533, %mul3A_534 : i32
      %mul3A_536 = arith.constant 10 : i32
      %mul3A_537 = arith.muli %while3A_320, %mul3A_536 : i32
      %add3A_538 = arith.constant 9 : i32
      %add3A_539 = arith.addi %mul3A_537, %add3A_538 : i32
      %mul3A_540 = arith.constant 2 : i32
      %mul3A_541 = arith.muli %mul3A_540, %add3A_539 : i32
      %dma_start3A_542 = arith.constant 0 : i32
      %dma_start3A_543 = tpu.memref_slice %arg4[%mul3A_541, %dma_start3A_542] : memref<80x128xi32, #tpu.memory_space<vmem>> -> memref<2x128xi32, #tpu.memory_space<vmem>>
      %dma_start3A_544 = arith.constant 0 : i32
      %dma_start3A_545 = tpu.memref_slice %arg2[%dma_start3A_544, %mul3A_535] : memref<2x160000xi32, #tpu.memory_space<hbm>> -> memref<2x128xi32, #tpu.memory_space<hbm>>
      %dma_start3A_546 = arith.constant 0 : i32
      %dma_start3A_547 = tpu.memref_slice %arg4[%mul3A_541, %dma_start3A_546] : memref<80x128xi32, #tpu.memory_space<vmem>> -> memref<2x128xi32, #tpu.memory_space<vmem>>
      %dma_start3A_548 = arith.constant 0 : i32
      %dma_start3A_549 = tpu.memref_slice %arg2[%dma_start3A_548, %mul3A_535] : memref<2x160000xi32, #tpu.memory_space<hbm>> -> memref<2x128xi32, #tpu.memory_space<hbm>>
      tpu.enqueue_dma source(%dma_start3A_549 : memref<2x128xi32, #tpu.memory_space<hbm>>) target(%dma_start3A_547 : memref<2x128xi32, #tpu.memory_space<vmem>>) target_semaphore(%arg8 : memref<!tpu.dma_semaphore, #tpu.memory_space<semaphore_mem>>)
      %dma_wait3A = arith.constant 0 : i32
      %dma_wait3A_550 = tpu.memref_slice %arg4[%mul3A_335, %dma_wait3A] : memref<80x128xi32, #tpu.memory_space<vmem>> -> memref<2x128xi32, #tpu.memory_space<vmem>>
      %dma_wait3A_551 = arith.constant 0 : i32
      %dma_wait3A_552 = tpu.memref_slice %arg2[%dma_wait3A_551, %mul3A_329] : memref<2x160000xi32, #tpu.memory_space<hbm>> -> memref<2x128xi32, #tpu.memory_space<hbm>>
      %dma_wait3A_553 = arith.constant 0 : i32
      %dma_wait3A_554 = tpu.memref_slice %arg4[%mul3A_335, %dma_wait3A_553] : memref<80x128xi32, #tpu.memory_space<vmem>> -> memref<2x128xi32, #tpu.memory_space<vmem>>
      %dma_wait3A_555 = arith.constant 0 : i32
      %dma_wait3A_556 = tpu.memref_slice %arg2[%dma_wait3A_555, %mul3A_329] : memref<2x160000xi32, #tpu.memory_space<hbm>> -> memref<2x128xi32, #tpu.memory_space<hbm>>
      tpu.wait_dma2 semaphore(%arg8 : memref<!tpu.dma_semaphore, #tpu.memory_space<semaphore_mem>>) src(%dma_wait3A_556 : memref<2x128xi32, #tpu.memory_space<hbm>>) dst(%dma_wait3A_554 : memref<2x128xi32, #tpu.memory_space<vmem>>)
      %dma_wait3A_557 = arith.constant 0 : i32
      %dma_wait3A_558 = tpu.memref_slice %arg4[%mul3A_357, %dma_wait3A_557] : memref<80x128xi32, #tpu.memory_space<vmem>> -> memref<2x128xi32, #tpu.memory_space<vmem>>
      %dma_wait3A_559 = arith.constant 0 : i32
      %dma_wait3A_560 = tpu.memref_slice %arg2[%dma_wait3A_559, %mul3A_351] : memref<2x160000xi32, #tpu.memory_space<hbm>> -> memref<2x128xi32, #tpu.memory_space<hbm>>
      %dma_wait3A_561 = arith.constant 0 : i32
      %dma_wait3A_562 = tpu.memref_slice %arg4[%mul3A_357, %dma_wait3A_561] : memref<80x128xi32, #tpu.memory_space<vmem>> -> memref<2x128xi32, #tpu.memory_space<vmem>>
      %dma_wait3A_563 = arith.constant 0 : i32
      %dma_wait3A_564 = tpu.memref_slice %arg2[%dma_wait3A_563, %mul3A_351] : memref<2x160000xi32, #tpu.memory_space<hbm>> -> memref<2x128xi32, #tpu.memory_space<hbm>>
      tpu.wait_dma2 semaphore(%arg8 : memref<!tpu.dma_semaphore, #tpu.memory_space<semaphore_mem>>) src(%dma_wait3A_564 : memref<2x128xi32, #tpu.memory_space<hbm>>) dst(%dma_wait3A_562 : memref<2x128xi32, #tpu.memory_space<vmem>>)
      %dma_wait3A_565 = arith.constant 0 : i32
      %dma_wait3A_566 = tpu.memref_slice %arg4[%mul3A_380, %dma_wait3A_565] : memref<80x128xi32, #tpu.memory_space<vmem>> -> memref<2x128xi32, #tpu.memory_space<vmem>>
      %dma_wait3A_567 = arith.constant 0 : i32
      %dma_wait3A_568 = tpu.memref_slice %arg2[%dma_wait3A_567, %mul3A_374] : memref<2x160000xi32, #tpu.memory_space<hbm>> -> memref<2x128xi32, #tpu.memory_space<hbm>>
      %dma_wait3A_569 = arith.constant 0 : i32
      %dma_wait3A_570 = tpu.memref_slice %arg4[%mul3A_380, %dma_wait3A_569] : memref<80x128xi32, #tpu.memory_space<vmem>> -> memref<2x128xi32, #tpu.memory_space<vmem>>
      %dma_wait3A_571 = arith.constant 0 : i32
      %dma_wait3A_572 = tpu.memref_slice %arg2[%dma_wait3A_571, %mul3A_374] : memref<2x160000xi32, #tpu.memory_space<hbm>> -> memref<2x128xi32, #tpu.memory_space<hbm>>
      tpu.wait_dma2 semaphore(%arg8 : memref<!tpu.dma_semaphore, #tpu.memory_space<semaphore_mem>>) src(%dma_wait3A_572 : memref<2x128xi32, #tpu.memory_space<hbm>>) dst(%dma_wait3A_570 : memref<2x128xi32, #tpu.memory_space<vmem>>)
      %dma_wait3A_573 = arith.constant 0 : i32
      %dma_wait3A_574 = tpu.memref_slice %arg4[%mul3A_403, %dma_wait3A_573] : memref<80x128xi32, #tpu.memory_space<vmem>> -> memref<2x128xi32, #tpu.memory_space<vmem>>
      %dma_wait3A_575 = arith.constant 0 : i32
      %dma_wait3A_576 = tpu.memref_slice %arg2[%dma_wait3A_575, %mul3A_397] : memref<2x160000xi32, #tpu.memory_space<hbm>> -> memref<2x128xi32, #tpu.memory_space<hbm>>
      %dma_wait3A_577 = arith.constant 0 : i32
      %dma_wait3A_578 = tpu.memref_slice %arg4[%mul3A_403, %dma_wait3A_577] : memref<80x128xi32, #tpu.memory_space<vmem>> -> memref<2x128xi32, #tpu.memory_space<vmem>>
      %dma_wait3A_579 = arith.constant 0 : i32
      %dma_wait3A_580 = tpu.memref_slice %arg2[%dma_wait3A_579, %mul3A_397] : memref<2x160000xi32, #tpu.memory_space<hbm>> -> memref<2x128xi32, #tpu.memory_space<hbm>>
      tpu.wait_dma2 semaphore(%arg8 : memref<!tpu.dma_semaphore, #tpu.memory_space<semaphore_mem>>) src(%dma_wait3A_580 : memref<2x128xi32, #tpu.memory_space<hbm>>) dst(%dma_wait3A_578 : memref<2x128xi32, #tpu.memory_space<vmem>>)
      %dma_wait3A_581 = arith.constant 0 : i32
      %dma_wait3A_582 = tpu.memref_slice %arg4[%mul3A_426, %dma_wait3A_581] : memref<80x128xi32, #tpu.memory_space<vmem>> -> memref<2x128xi32, #tpu.memory_space<vmem>>
      %dma_wait3A_583 = arith.constant 0 : i32
      %dma_wait3A_584 = tpu.memref_slice %arg2[%dma_wait3A_583, %mul3A_420] : memref<2x160000xi32, #tpu.memory_space<hbm>> -> memref<2x128xi32, #tpu.memory_space<hbm>>
      %dma_wait3A_585 = arith.constant 0 : i32
      %dma_wait3A_586 = tpu.memref_slice %arg4[%mul3A_426, %dma_wait3A_585] : memref<80x128xi32, #tpu.memory_space<vmem>> -> memref<2x128xi32, #tpu.memory_space<vmem>>
      %dma_wait3A_587 = arith.constant 0 : i32
      %dma_wait3A_588 = tpu.memref_slice %arg2[%dma_wait3A_587, %mul3A_420] : memref<2x160000xi32, #tpu.memory_space<hbm>> -> memref<2x128xi32, #tpu.memory_space<hbm>>
      tpu.wait_dma2 semaphore(%arg8 : memref<!tpu.dma_semaphore, #tpu.memory_space<semaphore_mem>>) src(%dma_wait3A_588 : memref<2x128xi32, #tpu.memory_space<hbm>>) dst(%dma_wait3A_586 : memref<2x128xi32, #tpu.memory_space<vmem>>)
      %dma_wait3A_589 = arith.constant 0 : i32
      %dma_wait3A_590 = tpu.memref_slice %arg4[%mul3A_449, %dma_wait3A_589] : memref<80x128xi32, #tpu.memory_space<vmem>> -> memref<2x128xi32, #tpu.memory_space<vmem>>
      %dma_wait3A_591 = arith.constant 0 : i32
      %dma_wait3A_592 = tpu.memref_slice %arg2[%dma_wait3A_591, %mul3A_443] : memref<2x160000xi32, #tpu.memory_space<hbm>> -> memref<2x128xi32, #tpu.memory_space<hbm>>
      %dma_wait3A_593 = arith.constant 0 : i32
      %dma_wait3A_594 = tpu.memref_slice %arg4[%mul3A_449, %dma_wait3A_593] : memref<80x128xi32, #tpu.memory_space<vmem>> -> memref<2x128xi32, #tpu.memory_space<vmem>>
      %dma_wait3A_595 = arith.constant 0 : i32
      %dma_wait3A_596 = tpu.memref_slice %arg2[%dma_wait3A_595, %mul3A_443] : memref<2x160000xi32, #tpu.memory_space<hbm>> -> memref<2x128xi32, #tpu.memory_space<hbm>>
      tpu.wait_dma2 semaphore(%arg8 : memref<!tpu.dma_semaphore, #tpu.memory_space<semaphore_mem>>) src(%dma_wait3A_596 : memref<2x128xi32, #tpu.memory_space<hbm>>) dst(%dma_wait3A_594 : memref<2x128xi32, #tpu.memory_space<vmem>>)
      %dma_wait3A_597 = arith.constant 0 : i32
      %dma_wait3A_598 = tpu.memref_slice %arg4[%mul3A_472, %dma_wait3A_597] : memref<80x128xi32, #tpu.memory_space<vmem>> -> memref<2x128xi32, #tpu.memory_space<vmem>>
      %dma_wait3A_599 = arith.constant 0 : i32
      %dma_wait3A_600 = tpu.memref_slice %arg2[%dma_wait3A_599, %mul3A_466] : memref<2x160000xi32, #tpu.memory_space<hbm>> -> memref<2x128xi32, #tpu.memory_space<hbm>>
      %dma_wait3A_601 = arith.constant 0 : i32
      %dma_wait3A_602 = tpu.memref_slice %arg4[%mul3A_472, %dma_wait3A_601] : memref<80x128xi32, #tpu.memory_space<vmem>> -> memref<2x128xi32, #tpu.memory_space<vmem>>
      %dma_wait3A_603 = arith.constant 0 : i32
      %dma_wait3A_604 = tpu.memref_slice %arg2[%dma_wait3A_603, %mul3A_466] : memref<2x160000xi32, #tpu.memory_space<hbm>> -> memref<2x128xi32, #tpu.memory_space<hbm>>
      tpu.wait_dma2 semaphore(%arg8 : memref<!tpu.dma_semaphore, #tpu.memory_space<semaphore_mem>>) src(%dma_wait3A_604 : memref<2x128xi32, #tpu.memory_space<hbm>>) dst(%dma_wait3A_602 : memref<2x128xi32, #tpu.memory_space<vmem>>)
      %dma_wait3A_605 = arith.constant 0 : i32
      %dma_wait3A_606 = tpu.memref_slice %arg4[%mul3A_495, %dma_wait3A_605] : memref<80x128xi32, #tpu.memory_space<vmem>> -> memref<2x128xi32, #tpu.memory_space<vmem>>
      %dma_wait3A_607 = arith.constant 0 : i32
      %dma_wait3A_608 = tpu.memref_slice %arg2[%dma_wait3A_607, %mul3A_489] : memref<2x160000xi32, #tpu.memory_space<hbm>> -> memref<2x128xi32, #tpu.memory_space<hbm>>
      %dma_wait3A_609 = arith.constant 0 : i32
      %dma_wait3A_610 = tpu.memref_slice %arg4[%mul3A_495, %dma_wait3A_609] : memref<80x128xi32, #tpu.memory_space<vmem>> -> memref<2x128xi32, #tpu.memory_space<vmem>>
      %dma_wait3A_611 = arith.constant 0 : i32
      %dma_wait3A_612 = tpu.memref_slice %arg2[%dma_wait3A_611, %mul3A_489] : memref<2x160000xi32, #tpu.memory_space<hbm>> -> memref<2x128xi32, #tpu.memory_space<hbm>>
      tpu.wait_dma2 semaphore(%arg8 : memref<!tpu.dma_semaphore, #tpu.memory_space<semaphore_mem>>) src(%dma_wait3A_612 : memref<2x128xi32, #tpu.memory_space<hbm>>) dst(%dma_wait3A_610 : memref<2x128xi32, #tpu.memory_space<vmem>>)
      %dma_wait3A_613 = arith.constant 0 : i32
      %dma_wait3A_614 = tpu.memref_slice %arg4[%mul3A_518, %dma_wait3A_613] : memref<80x128xi32, #tpu.memory_space<vmem>> -> memref<2x128xi32, #tpu.memory_space<vmem>>
      %dma_wait3A_615 = arith.constant 0 : i32
      %dma_wait3A_616 = tpu.memref_slice %arg2[%dma_wait3A_615, %mul3A_512] : memref<2x160000xi32, #tpu.memory_space<hbm>> -> memref<2x128xi32, #tpu.memory_space<hbm>>
      %dma_wait3A_617 = arith.constant 0 : i32
      %dma_wait3A_618 = tpu.memref_slice %arg4[%mul3A_518, %dma_wait3A_617] : memref<80x128xi32, #tpu.memory_space<vmem>> -> memref<2x128xi32, #tpu.memory_space<vmem>>
      %dma_wait3A_619 = arith.constant 0 : i32
      %dma_wait3A_620 = tpu.memref_slice %arg2[%dma_wait3A_619, %mul3A_512] : memref<2x160000xi32, #tpu.memory_space<hbm>> -> memref<2x128xi32, #tpu.memory_space<hbm>>
      tpu.wait_dma2 semaphore(%arg8 : memref<!tpu.dma_semaphore, #tpu.memory_space<semaphore_mem>>) src(%dma_wait3A_620 : memref<2x128xi32, #tpu.memory_space<hbm>>) dst(%dma_wait3A_618 : memref<2x128xi32, #tpu.memory_space<vmem>>)
      %dma_wait3A_621 = arith.constant 0 : i32
      %dma_wait3A_622 = tpu.memref_slice %arg4[%mul3A_541, %dma_wait3A_621] : memref<80x128xi32, #tpu.memory_space<vmem>> -> memref<2x128xi32, #tpu.memory_space<vmem>>
      %dma_wait3A_623 = arith.constant 0 : i32
      %dma_wait3A_624 = tpu.memref_slice %arg2[%dma_wait3A_623, %mul3A_535] : memref<2x160000xi32, #tpu.memory_space<hbm>> -> memref<2x128xi32, #tpu.memory_space<hbm>>
      %dma_wait3A_625 = arith.constant 0 : i32
      %dma_wait3A_626 = tpu.memref_slice %arg4[%mul3A_541, %dma_wait3A_625] : memref<80x128xi32, #tpu.memory_space<vmem>> -> memref<2x128xi32, #tpu.memory_space<vmem>>
      %dma_wait3A_627 = arith.constant 0 : i32
      %dma_wait3A_628 = tpu.memref_slice %arg2[%dma_wait3A_627, %mul3A_535] : memref<2x160000xi32, #tpu.memory_space<hbm>> -> memref<2x128xi32, #tpu.memory_space<hbm>>
      tpu.wait_dma2 semaphore(%arg8 : memref<!tpu.dma_semaphore, #tpu.memory_space<semaphore_mem>>) src(%dma_wait3A_628 : memref<2x128xi32, #tpu.memory_space<hbm>>) dst(%dma_wait3A_626 : memref<2x128xi32, #tpu.memory_space<vmem>>)
    }
    %while3A_299 = arith.constant 1 : i32
    scf.for %while3A_320 = %while3A_297 to %while3A_293 step %while3A_299  : i32 {
      %mul3A_321 = arith.constant 40 : i32
      %mul3A_322 = arith.muli %add3A, %mul3A_321 : i32
      %mul3A_323 = arith.constant 10 : i32
      %mul3A_324 = arith.muli %while3A_320, %mul3A_323 : i32
      %add3A_325 = arith.addi %mul3A_322, %mul3A_324 : i32
      %add3A_326 = arith.constant 0 : i32
      %add3A_327 = arith.addi %add3A_325, %add3A_326 : i32
      %mul3A_328 = arith.constant 128 : i32
      %mul3A_329 = arith.muli %add3A_327, %mul3A_328 : i32
      %mul3A_330 = arith.constant 10 : i32
      %mul3A_331 = arith.muli %while3A_320, %mul3A_330 : i32
      %add3A_332 = arith.constant 0 : i32
      %add3A_333 = arith.addi %mul3A_331, %add3A_332 : i32
      %mul3A_334 = arith.constant 2 : i32
      %mul3A_335 = arith.muli %mul3A_334, %add3A_333 : i32
      %dma_start3A = arith.constant 0 : i32
      %dma_start3A_336 = tpu.memref_slice %arg4[%mul3A_335, %dma_start3A] : memref<80x128xi32, #tpu.memory_space<vmem>> -> memref<2x128xi32, #tpu.memory_space<vmem>>
      %dma_start3A_337 = arith.constant 0 : i32
      %dma_start3A_338 = tpu.memref_slice %arg2[%dma_start3A_337, %mul3A_329] : memref<2x160000xi32, #tpu.memory_space<hbm>> -> memref<2x128xi32, #tpu.memory_space<hbm>>
      %dma_start3A_339 = arith.constant 0 : i32
      %dma_start3A_340 = tpu.memref_slice %arg4[%mul3A_335, %dma_start3A_339] : memref<80x128xi32, #tpu.memory_space<vmem>> -> memref<2x128xi32, #tpu.memory_space<vmem>>
      %dma_start3A_341 = arith.constant 0 : i32
      %dma_start3A_342 = tpu.memref_slice %arg2[%dma_start3A_341, %mul3A_329] : memref<2x160000xi32, #tpu.memory_space<hbm>> -> memref<2x128xi32, #tpu.memory_space<hbm>>
      tpu.enqueue_dma source(%dma_start3A_342 : memref<2x128xi32, #tpu.memory_space<hbm>>) target(%dma_start3A_340 : memref<2x128xi32, #tpu.memory_space<vmem>>) target_semaphore(%arg8 : memref<!tpu.dma_semaphore, #tpu.memory_space<semaphore_mem>>)
      %mul3A_343 = arith.constant 40 : i32
      %mul3A_344 = arith.muli %add3A, %mul3A_343 : i32
      %mul3A_345 = arith.constant 10 : i32
      %mul3A_346 = arith.muli %while3A_320, %mul3A_345 : i32
      %add3A_347 = arith.addi %mul3A_344, %mul3A_346 : i32
      %add3A_348 = arith.constant 1 : i32
      %add3A_349 = arith.addi %add3A_347, %add3A_348 : i32
      %mul3A_350 = arith.constant 128 : i32
      %mul3A_351 = arith.muli %add3A_349, %mul3A_350 : i32
      %mul3A_352 = arith.constant 10 : i32
      %mul3A_353 = arith.muli %while3A_320, %mul3A_352 : i32
      %add3A_354 = arith.constant 1 : i32
      %add3A_355 = arith.addi %mul3A_353, %add3A_354 : i32
      %mul3A_356 = arith.constant 2 : i32
      %mul3A_357 = arith.muli %mul3A_356, %add3A_355 : i32
      %dma_start3A_358 = arith.constant 0 : i32
      %dma_start3A_359 = tpu.memref_slice %arg4[%mul3A_357, %dma_start3A_358] : memref<80x128xi32, #tpu.memory_space<vmem>> -> memref<2x128xi32, #tpu.memory_space<vmem>>
      %dma_start3A_360 = arith.constant 0 : i32
      %dma_start3A_361 = tpu.memref_slice %arg2[%dma_start3A_360, %mul3A_351] : memref<2x160000xi32, #tpu.memory_space<hbm>> -> memref<2x128xi32, #tpu.memory_space<hbm>>
      %dma_start3A_362 = arith.constant 0 : i32
      %dma_start3A_363 = tpu.memref_slice %arg4[%mul3A_357, %dma_start3A_362] : memref<80x128xi32, #tpu.memory_space<vmem>> -> memref<2x128xi32, #tpu.memory_space<vmem>>
      %dma_start3A_364 = arith.constant 0 : i32
      %dma_start3A_365 = tpu.memref_slice %arg2[%dma_start3A_364, %mul3A_351] : memref<2x160000xi32, #tpu.memory_space<hbm>> -> memref<2x128xi32, #tpu.memory_space<hbm>>
      tpu.enqueue_dma source(%dma_start3A_365 : memref<2x128xi32, #tpu.memory_space<hbm>>) target(%dma_start3A_363 : memref<2x128xi32, #tpu.memory_space<vmem>>) target_semaphore(%arg8 : memref<!tpu.dma_semaphore, #tpu.memory_space<semaphore_mem>>)
      %mul3A_366 = arith.constant 40 : i32
      %mul3A_367 = arith.muli %add3A, %mul3A_366 : i32
      %mul3A_368 = arith.constant 10 : i32
      %mul3A_369 = arith.muli %while3A_320, %mul3A_368 : i32
      %add3A_370 = arith.addi %mul3A_367, %mul3A_369 : i32
      %add3A_371 = arith.constant 2 : i32
      %add3A_372 = arith.addi %add3A_370, %add3A_371 : i32
      %mul3A_373 = arith.constant 128 : i32
      %mul3A_374 = arith.muli %add3A_372, %mul3A_373 : i32
      %mul3A_375 = arith.constant 10 : i32
      %mul3A_376 = arith.muli %while3A_320, %mul3A_375 : i32
      %add3A_377 = arith.constant 2 : i32
      %add3A_378 = arith.addi %mul3A_376, %add3A_377 : i32
      %mul3A_379 = arith.constant 2 : i32
      %mul3A_380 = arith.muli %mul3A_379, %add3A_378 : i32
      %dma_start3A_381 = arith.constant 0 : i32
      %dma_start3A_382 = tpu.memref_slice %arg4[%mul3A_380, %dma_start3A_381] : memref<80x128xi32, #tpu.memory_space<vmem>> -> memref<2x128xi32, #tpu.memory_space<vmem>>
      %dma_start3A_383 = arith.constant 0 : i32
      %dma_start3A_384 = tpu.memref_slice %arg2[%dma_start3A_383, %mul3A_374] : memref<2x160000xi32, #tpu.memory_space<hbm>> -> memref<2x128xi32, #tpu.memory_space<hbm>>
      %dma_start3A_385 = arith.constant 0 : i32
      %dma_start3A_386 = tpu.memref_slice %arg4[%mul3A_380, %dma_start3A_385] : memref<80x128xi32, #tpu.memory_space<vmem>> -> memref<2x128xi32, #tpu.memory_space<vmem>>
      %dma_start3A_387 = arith.constant 0 : i32
      %dma_start3A_388 = tpu.memref_slice %arg2[%dma_start3A_387, %mul3A_374] : memref<2x160000xi32, #tpu.memory_space<hbm>> -> memref<2x128xi32, #tpu.memory_space<hbm>>
      tpu.enqueue_dma source(%dma_start3A_388 : memref<2x128xi32, #tpu.memory_space<hbm>>) target(%dma_start3A_386 : memref<2x128xi32, #tpu.memory_space<vmem>>) target_semaphore(%arg8 : memref<!tpu.dma_semaphore, #tpu.memory_space<semaphore_mem>>)
      %mul3A_389 = arith.constant 40 : i32
      %mul3A_390 = arith.muli %add3A, %mul3A_389 : i32
      %mul3A_391 = arith.constant 10 : i32
      %mul3A_392 = arith.muli %while3A_320, %mul3A_391 : i32
      %add3A_393 = arith.addi %mul3A_390, %mul3A_392 : i32
      %add3A_394 = arith.constant 3 : i32
      %add3A_395 = arith.addi %add3A_393, %add3A_394 : i32
      %mul3A_396 = arith.constant 128 : i32
      %mul3A_397 = arith.muli %add3A_395, %mul3A_396 : i32
      %mul3A_398 = arith.constant 10 : i32
      %mul3A_399 = arith.muli %while3A_320, %mul3A_398 : i32
      %add3A_400 = arith.constant 3 : i32
      %add3A_401 = arith.addi %mul3A_399, %add3A_400 : i32
      %mul3A_402 = arith.constant 2 : i32
      %mul3A_403 = arith.muli %mul3A_402, %add3A_401 : i32
      %dma_start3A_404 = arith.constant 0 : i32
      %dma_start3A_405 = tpu.memref_slice %arg4[%mul3A_403, %dma_start3A_404] : memref<80x128xi32, #tpu.memory_space<vmem>> -> memref<2x128xi32, #tpu.memory_space<vmem>>
      %dma_start3A_406 = arith.constant 0 : i32
      %dma_start3A_407 = tpu.memref_slice %arg2[%dma_start3A_406, %mul3A_397] : memref<2x160000xi32, #tpu.memory_space<hbm>> -> memref<2x128xi32, #tpu.memory_space<hbm>>
      %dma_start3A_408 = arith.constant 0 : i32
      %dma_start3A_409 = tpu.memref_slice %arg4[%mul3A_403, %dma_start3A_408] : memref<80x128xi32, #tpu.memory_space<vmem>> -> memref<2x128xi32, #tpu.memory_space<vmem>>
      %dma_start3A_410 = arith.constant 0 : i32
      %dma_start3A_411 = tpu.memref_slice %arg2[%dma_start3A_410, %mul3A_397] : memref<2x160000xi32, #tpu.memory_space<hbm>> -> memref<2x128xi32, #tpu.memory_space<hbm>>
      tpu.enqueue_dma source(%dma_start3A_411 : memref<2x128xi32, #tpu.memory_space<hbm>>) target(%dma_start3A_409 : memref<2x128xi32, #tpu.memory_space<vmem>>) target_semaphore(%arg8 : memref<!tpu.dma_semaphore, #tpu.memory_space<semaphore_mem>>)
      %mul3A_412 = arith.constant 40 : i32
      %mul3A_413 = arith.muli %add3A, %mul3A_412 : i32
      %mul3A_414 = arith.constant 10 : i32
      %mul3A_415 = arith.muli %while3A_320, %mul3A_414 : i32
      %add3A_416 = arith.addi %mul3A_413, %mul3A_415 : i32
      %add3A_417 = arith.constant 4 : i32
      %add3A_418 = arith.addi %add3A_416, %add3A_417 : i32
      %mul3A_419 = arith.constant 128 : i32
      %mul3A_420 = arith.muli %add3A_418, %mul3A_419 : i32
      %mul3A_421 = arith.constant 10 : i32
      %mul3A_422 = arith.muli %while3A_320, %mul3A_421 : i32
      %add3A_423 = arith.constant 4 : i32
      %add3A_424 = arith.addi %mul3A_422, %add3A_423 : i32
      %mul3A_425 = arith.constant 2 : i32
      %mul3A_426 = arith.muli %mul3A_425, %add3A_424 : i32
      %dma_start3A_427 = arith.constant 0 : i32
      %dma_start3A_428 = tpu.memref_slice %arg4[%mul3A_426, %dma_start3A_427] : memref<80x128xi32, #tpu.memory_space<vmem>> -> memref<2x128xi32, #tpu.memory_space<vmem>>
      %dma_start3A_429 = arith.constant 0 : i32
      %dma_start3A_430 = tpu.memref_slice %arg2[%dma_start3A_429, %mul3A_420] : memref<2x160000xi32, #tpu.memory_space<hbm>> -> memref<2x128xi32, #tpu.memory_space<hbm>>
      %dma_start3A_431 = arith.constant 0 : i32
      %dma_start3A_432 = tpu.memref_slice %arg4[%mul3A_426, %dma_start3A_431] : memref<80x128xi32, #tpu.memory_space<vmem>> -> memref<2x128xi32, #tpu.memory_space<vmem>>
      %dma_start3A_433 = arith.constant 0 : i32
      %dma_start3A_434 = tpu.memref_slice %arg2[%dma_start3A_433, %mul3A_420] : memref<2x160000xi32, #tpu.memory_space<hbm>> -> memref<2x128xi32, #tpu.memory_space<hbm>>
      tpu.enqueue_dma source(%dma_start3A_434 : memref<2x128xi32, #tpu.memory_space<hbm>>) target(%dma_start3A_432 : memref<2x128xi32, #tpu.memory_space<vmem>>) target_semaphore(%arg8 : memref<!tpu.dma_semaphore, #tpu.memory_space<semaphore_mem>>)
      %mul3A_435 = arith.constant 40 : i32
      %mul3A_436 = arith.muli %add3A, %mul3A_435 : i32
      %mul3A_437 = arith.constant 10 : i32
      %mul3A_438 = arith.muli %while3A_320, %mul3A_437 : i32
      %add3A_439 = arith.addi %mul3A_436, %mul3A_438 : i32
      %add3A_440 = arith.constant 5 : i32
      %add3A_441 = arith.addi %add3A_439, %add3A_440 : i32
      %mul3A_442 = arith.constant 128 : i32
      %mul3A_443 = arith.muli %add3A_441, %mul3A_442 : i32
      %mul3A_444 = arith.constant 10 : i32
      %mul3A_445 = arith.muli %while3A_320, %mul3A_444 : i32
      %add3A_446 = arith.constant 5 : i32
      %add3A_447 = arith.addi %mul3A_445, %add3A_446 : i32
      %mul3A_448 = arith.constant 2 : i32
      %mul3A_449 = arith.muli %mul3A_448, %add3A_447 : i32
      %dma_start3A_450 = arith.constant 0 : i32
      %dma_start3A_451 = tpu.memref_slice %arg4[%mul3A_449, %dma_start3A_450] : memref<80x128xi32, #tpu.memory_space<vmem>> -> memref<2x128xi32, #tpu.memory_space<vmem>>
      %dma_start3A_452 = arith.constant 0 : i32
      %dma_start3A_453 = tpu.memref_slice %arg2[%dma_start3A_452, %mul3A_443] : memref<2x160000xi32, #tpu.memory_space<hbm>> -> memref<2x128xi32, #tpu.memory_space<hbm>>
      %dma_start3A_454 = arith.constant 0 : i32
      %dma_start3A_455 = tpu.memref_slice %arg4[%mul3A_449, %dma_start3A_454] : memref<80x128xi32, #tpu.memory_space<vmem>> -> memref<2x128xi32, #tpu.memory_space<vmem>>
      %dma_start3A_456 = arith.constant 0 : i32
      %dma_start3A_457 = tpu.memref_slice %arg2[%dma_start3A_456, %mul3A_443] : memref<2x160000xi32, #tpu.memory_space<hbm>> -> memref<2x128xi32, #tpu.memory_space<hbm>>
      tpu.enqueue_dma source(%dma_start3A_457 : memref<2x128xi32, #tpu.memory_space<hbm>>) target(%dma_start3A_455 : memref<2x128xi32, #tpu.memory_space<vmem>>) target_semaphore(%arg8 : memref<!tpu.dma_semaphore, #tpu.memory_space<semaphore_mem>>)
      %mul3A_458 = arith.constant 40 : i32
      %mul3A_459 = arith.muli %add3A, %mul3A_458 : i32
      %mul3A_460 = arith.constant 10 : i32
      %mul3A_461 = arith.muli %while3A_320, %mul3A_460 : i32
      %add3A_462 = arith.addi %mul3A_459, %mul3A_461 : i32
      %add3A_463 = arith.constant 6 : i32
      %add3A_464 = arith.addi %add3A_462, %add3A_463 : i32
      %mul3A_465 = arith.constant 128 : i32
      %mul3A_466 = arith.muli %add3A_464, %mul3A_465 : i32
      %mul3A_467 = arith.constant 10 : i32
      %mul3A_468 = arith.muli %while3A_320, %mul3A_467 : i32
      %add3A_469 = arith.constant 6 : i32
      %add3A_470 = arith.addi %mul3A_468, %add3A_469 : i32
      %mul3A_471 = arith.constant 2 : i32
      %mul3A_472 = arith.muli %mul3A_471, %add3A_470 : i32
      %dma_start3A_473 = arith.constant 0 : i32
      %dma_start3A_474 = tpu.memref_slice %arg4[%mul3A_472, %dma_start3A_473] : memref<80x128xi32, #tpu.memory_space<vmem>> -> memref<2x128xi32, #tpu.memory_space<vmem>>
      %dma_start3A_475 = arith.constant 0 : i32
      %dma_start3A_476 = tpu.memref_slice %arg2[%dma_start3A_475, %mul3A_466] : memref<2x160000xi32, #tpu.memory_space<hbm>> -> memref<2x128xi32, #tpu.memory_space<hbm>>
      %dma_start3A_477 = arith.constant 0 : i32
      %dma_start3A_478 = tpu.memref_slice %arg4[%mul3A_472, %dma_start3A_477] : memref<80x128xi32, #tpu.memory_space<vmem>> -> memref<2x128xi32, #tpu.memory_space<vmem>>
      %dma_start3A_479 = arith.constant 0 : i32
      %dma_start3A_480 = tpu.memref_slice %arg2[%dma_start3A_479, %mul3A_466] : memref<2x160000xi32, #tpu.memory_space<hbm>> -> memref<2x128xi32, #tpu.memory_space<hbm>>
      tpu.enqueue_dma source(%dma_start3A_480 : memref<2x128xi32, #tpu.memory_space<hbm>>) target(%dma_start3A_478 : memref<2x128xi32, #tpu.memory_space<vmem>>) target_semaphore(%arg8 : memref<!tpu.dma_semaphore, #tpu.memory_space<semaphore_mem>>)
      %mul3A_481 = arith.constant 40 : i32
      %mul3A_482 = arith.muli %add3A, %mul3A_481 : i32
      %mul3A_483 = arith.constant 10 : i32
      %mul3A_484 = arith.muli %while3A_320, %mul3A_483 : i32
      %add3A_485 = arith.addi %mul3A_482, %mul3A_484 : i32
      %add3A_486 = arith.constant 7 : i32
      %add3A_487 = arith.addi %add3A_485, %add3A_486 : i32
      %mul3A_488 = arith.constant 128 : i32
      %mul3A_489 = arith.muli %add3A_487, %mul3A_488 : i32
      %mul3A_490 = arith.constant 10 : i32
      %mul3A_491 = arith.muli %while3A_320, %mul3A_490 : i32
      %add3A_492 = arith.constant 7 : i32
      %add3A_493 = arith.addi %mul3A_491, %add3A_492 : i32
      %mul3A_494 = arith.constant 2 : i32
      %mul3A_495 = arith.muli %mul3A_494, %add3A_493 : i32
      %dma_start3A_496 = arith.constant 0 : i32
      %dma_start3A_497 = tpu.memref_slice %arg4[%mul3A_495, %dma_start3A_496] : memref<80x128xi32, #tpu.memory_space<vmem>> -> memref<2x128xi32, #tpu.memory_space<vmem>>
      %dma_start3A_498 = arith.constant 0 : i32
      %dma_start3A_499 = tpu.memref_slice %arg2[%dma_start3A_498, %mul3A_489] : memref<2x160000xi32, #tpu.memory_space<hbm>> -> memref<2x128xi32, #tpu.memory_space<hbm>>
      %dma_start3A_500 = arith.constant 0 : i32
      %dma_start3A_501 = tpu.memref_slice %arg4[%mul3A_495, %dma_start3A_500] : memref<80x128xi32, #tpu.memory_space<vmem>> -> memref<2x128xi32, #tpu.memory_space<vmem>>
      %dma_start3A_502 = arith.constant 0 : i32
      %dma_start3A_503 = tpu.memref_slice %arg2[%dma_start3A_502, %mul3A_489] : memref<2x160000xi32, #tpu.memory_space<hbm>> -> memref<2x128xi32, #tpu.memory_space<hbm>>
      tpu.enqueue_dma source(%dma_start3A_503 : memref<2x128xi32, #tpu.memory_space<hbm>>) target(%dma_start3A_501 : memref<2x128xi32, #tpu.memory_space<vmem>>) target_semaphore(%arg8 : memref<!tpu.dma_semaphore, #tpu.memory_space<semaphore_mem>>)
      %mul3A_504 = arith.constant 40 : i32
      %mul3A_505 = arith.muli %add3A, %mul3A_504 : i32
      %mul3A_506 = arith.constant 10 : i32
      %mul3A_507 = arith.muli %while3A_320, %mul3A_506 : i32
      %add3A_508 = arith.addi %mul3A_505, %mul3A_507 : i32
      %add3A_509 = arith.constant 8 : i32
      %add3A_510 = arith.addi %add3A_508, %add3A_509 : i32
      %mul3A_511 = arith.constant 128 : i32
      %mul3A_512 = arith.muli %add3A_510, %mul3A_511 : i32
      %mul3A_513 = arith.constant 10 : i32
      %mul3A_514 = arith.muli %while3A_320, %mul3A_513 : i32
      %add3A_515 = arith.constant 8 : i32
      %add3A_516 = arith.addi %mul3A_514, %add3A_515 : i32
      %mul3A_517 = arith.constant 2 : i32
      %mul3A_518 = arith.muli %mul3A_517, %add3A_516 : i32
      %dma_start3A_519 = arith.constant 0 : i32
      %dma_start3A_520 = tpu.memref_slice %arg4[%mul3A_518, %dma_start3A_519] : memref<80x128xi32, #tpu.memory_space<vmem>> -> memref<2x128xi32, #tpu.memory_space<vmem>>
      %dma_start3A_521 = arith.constant 0 : i32
      %dma_start3A_522 = tpu.memref_slice %arg2[%dma_start3A_521, %mul3A_512] : memref<2x160000xi32, #tpu.memory_space<hbm>> -> memref<2x128xi32, #tpu.memory_space<hbm>>
      %dma_start3A_523 = arith.constant 0 : i32
      %dma_start3A_524 = tpu.memref_slice %arg4[%mul3A_518, %dma_start3A_523] : memref<80x128xi32, #tpu.memory_space<vmem>> -> memref<2x128xi32, #tpu.memory_space<vmem>>
      %dma_start3A_525 = arith.constant 0 : i32
      %dma_start3A_526 = tpu.memref_slice %arg2[%dma_start3A_525, %mul3A_512] : memref<2x160000xi32, #tpu.memory_space<hbm>> -> memref<2x128xi32, #tpu.memory_space<hbm>>
      tpu.enqueue_dma source(%dma_start3A_526 : memref<2x128xi32, #tpu.memory_space<hbm>>) target(%dma_start3A_524 : memref<2x128xi32, #tpu.memory_space<vmem>>) target_semaphore(%arg8 : memref<!tpu.dma_semaphore, #tpu.memory_space<semaphore_mem>>)
      %mul3A_527 = arith.constant 40 : i32
      %mul3A_528 = arith.muli %add3A, %mul3A_527 : i32
      %mul3A_529 = arith.constant 10 : i32
      %mul3A_530 = arith.muli %while3A_320, %mul3A_529 : i32
      %add3A_531 = arith.addi %mul3A_528, %mul3A_530 : i32
      %add3A_532 = arith.constant 9 : i32
      %add3A_533 = arith.addi %add3A_531, %add3A_532 : i32
      %mul3A_534 = arith.constant 128 : i32
      %mul3A_535 = arith.muli %add3A_533, %mul3A_534 : i32
      %mul3A_536 = arith.constant 10 : i32
      %mul3A_537 = arith.muli %while3A_320, %mul3A_536 : i32
      %add3A_538 = arith.constant 9 : i32
      %add3A_539 = arith.addi %mul3A_537, %add3A_538 : i32
      %mul3A_540 = arith.constant 2 : i32
      %mul3A_541 = arith.muli %mul3A_540, %add3A_539 : i32
      %dma_start3A_542 = arith.constant 0 : i32
      %dma_start3A_543 = tpu.memref_slice %arg4[%mul3A_541, %dma_start3A_542] : memref<80x128xi32, #tpu.memory_space<vmem>> -> memref<2x128xi32, #tpu.memory_space<vmem>>
      %dma_start3A_544 = arith.constant 0 : i32
      %dma_start3A_545 = tpu.memref_slice %arg2[%dma_start3A_544, %mul3A_535] : memref<2x160000xi32, #tpu.memory_space<hbm>> -> memref<2x128xi32, #tpu.memory_space<hbm>>
      %dma_start3A_546 = arith.constant 0 : i32
      %dma_start3A_547 = tpu.memref_slice %arg4[%mul3A_541, %dma_start3A_546] : memref<80x128xi32, #tpu.memory_space<vmem>> -> memref<2x128xi32, #tpu.memory_space<vmem>>
      %dma_start3A_548 = arith.constant 0 : i32
      %dma_start3A_549 = tpu.memref_slice %arg2[%dma_start3A_548, %mul3A_535] : memref<2x160000xi32, #tpu.memory_space<hbm>> -> memref<2x128xi32, #tpu.memory_space<hbm>>
      tpu.enqueue_dma source(%dma_start3A_549 : memref<2x128xi32, #tpu.memory_space<hbm>>) target(%dma_start3A_547 : memref<2x128xi32, #tpu.memory_space<vmem>>) target_semaphore(%arg8 : memref<!tpu.dma_semaphore, #tpu.memory_space<semaphore_mem>>)
      %dma_wait3A = arith.constant 0 : i32
      %dma_wait3A_550 = tpu.memref_slice %arg4[%mul3A_335, %dma_wait3A] : memref<80x128xi32, #tpu.memory_space<vmem>> -> memref<2x128xi32, #tpu.memory_space<vmem>>
      %dma_wait3A_551 = arith.constant 0 : i32
      %dma_wait3A_552 = tpu.memref_slice %arg2[%dma_wait3A_551, %mul3A_329] : memref<2x160000xi32, #tpu.memory_space<hbm>> -> memref<2x128xi32, #tpu.memory_space<hbm>>
      %dma_wait3A_553 = arith.constant 0 : i32
      %dma_wait3A_554 = tpu.memref_slice %arg4[%mul3A_335, %dma_wait3A_553] : memref<80x128xi32, #tpu.memory_space<vmem>> -> memref<2x128xi32, #tpu.memory_space<vmem>>
      %dma_wait3A_555 = arith.constant 0 : i32
      %dma_wait3A_556 = tpu.memref_slice %arg2[%dma_wait3A_555, %mul3A_329] : memref<2x160000xi32, #tpu.memory_space<hbm>> -> memref<2x128xi32, #tpu.memory_space<hbm>>
      tpu.wait_dma2 semaphore(%arg8 : memref<!tpu.dma_semaphore, #tpu.memory_space<semaphore_mem>>) src(%dma_wait3A_556 : memref<2x128xi32, #tpu.memory_space<hbm>>) dst(%dma_wait3A_554 : memref<2x128xi32, #tpu.memory_space<vmem>>)
      %dma_wait3A_557 = arith.constant 0 : i32
      %dma_wait3A_558 = tpu.memref_slice %arg4[%mul3A_357, %dma_wait3A_557] : memref<80x128xi32, #tpu.memory_space<vmem>> -> memref<2x128xi32, #tpu.memory_space<vmem>>
      %dma_wait3A_559 = arith.constant 0 : i32
      %dma_wait3A_560 = tpu.memref_slice %arg2[%dma_wait3A_559, %mul3A_351] : memref<2x160000xi32, #tpu.memory_space<hbm>> -> memref<2x128xi32, #tpu.memory_space<hbm>>
      %dma_wait3A_561 = arith.constant 0 : i32
      %dma_wait3A_562 = tpu.memref_slice %arg4[%mul3A_357, %dma_wait3A_561] : memref<80x128xi32, #tpu.memory_space<vmem>> -> memref<2x128xi32, #tpu.memory_space<vmem>>
      %dma_wait3A_563 = arith.constant 0 : i32
      %dma_wait3A_564 = tpu.memref_slice %arg2[%dma_wait3A_563, %mul3A_351] : memref<2x160000xi32, #tpu.memory_space<hbm>> -> memref<2x128xi32, #tpu.memory_space<hbm>>
      tpu.wait_dma2 semaphore(%arg8 : memref<!tpu.dma_semaphore, #tpu.memory_space<semaphore_mem>>) src(%dma_wait3A_564 : memref<2x128xi32, #tpu.memory_space<hbm>>) dst(%dma_wait3A_562 : memref<2x128xi32, #tpu.memory_space<vmem>>)
      %dma_wait3A_565 = arith.constant 0 : i32
      %dma_wait3A_566 = tpu.memref_slice %arg4[%mul3A_380, %dma_wait3A_565] : memref<80x128xi32, #tpu.memory_space<vmem>> -> memref<2x128xi32, #tpu.memory_space<vmem>>
      %dma_wait3A_567 = arith.constant 0 : i32
      %dma_wait3A_568 = tpu.memref_slice %arg2[%dma_wait3A_567, %mul3A_374] : memref<2x160000xi32, #tpu.memory_space<hbm>> -> memref<2x128xi32, #tpu.memory_space<hbm>>
      %dma_wait3A_569 = arith.constant 0 : i32
      %dma_wait3A_570 = tpu.memref_slice %arg4[%mul3A_380, %dma_wait3A_569] : memref<80x128xi32, #tpu.memory_space<vmem>> -> memref<2x128xi32, #tpu.memory_space<vmem>>
      %dma_wait3A_571 = arith.constant 0 : i32
      %dma_wait3A_572 = tpu.memref_slice %arg2[%dma_wait3A_571, %mul3A_374] : memref<2x160000xi32, #tpu.memory_space<hbm>> -> memref<2x128xi32, #tpu.memory_space<hbm>>
      tpu.wait_dma2 semaphore(%arg8 : memref<!tpu.dma_semaphore, #tpu.memory_space<semaphore_mem>>) src(%dma_wait3A_572 : memref<2x128xi32, #tpu.memory_space<hbm>>) dst(%dma_wait3A_570 : memref<2x128xi32, #tpu.memory_space<vmem>>)
      %dma_wait3A_573 = arith.constant 0 : i32
      %dma_wait3A_574 = tpu.memref_slice %arg4[%mul3A_403, %dma_wait3A_573] : memref<80x128xi32, #tpu.memory_space<vmem>> -> memref<2x128xi32, #tpu.memory_space<vmem>>
      %dma_wait3A_575 = arith.constant 0 : i32
      %dma_wait3A_576 = tpu.memref_slice %arg2[%dma_wait3A_575, %mul3A_397] : memref<2x160000xi32, #tpu.memory_space<hbm>> -> memref<2x128xi32, #tpu.memory_space<hbm>>
      %dma_wait3A_577 = arith.constant 0 : i32
      %dma_wait3A_578 = tpu.memref_slice %arg4[%mul3A_403, %dma_wait3A_577] : memref<80x128xi32, #tpu.memory_space<vmem>> -> memref<2x128xi32, #tpu.memory_space<vmem>>
      %dma_wait3A_579 = arith.constant 0 : i32
      %dma_wait3A_580 = tpu.memref_slice %arg2[%dma_wait3A_579, %mul3A_397] : memref<2x160000xi32, #tpu.memory_space<hbm>> -> memref<2x128xi32, #tpu.memory_space<hbm>>
      tpu.wait_dma2 semaphore(%arg8 : memref<!tpu.dma_semaphore, #tpu.memory_space<semaphore_mem>>) src(%dma_wait3A_580 : memref<2x128xi32, #tpu.memory_space<hbm>>) dst(%dma_wait3A_578 : memref<2x128xi32, #tpu.memory_space<vmem>>)
      %dma_wait3A_581 = arith.constant 0 : i32
      %dma_wait3A_582 = tpu.memref_slice %arg4[%mul3A_426, %dma_wait3A_581] : memref<80x128xi32, #tpu.memory_space<vmem>> -> memref<2x128xi32, #tpu.memory_space<vmem>>
      %dma_wait3A_583 = arith.constant 0 : i32
      %dma_wait3A_584 = tpu.memref_slice %arg2[%dma_wait3A_583, %mul3A_420] : memref<2x160000xi32, #tpu.memory_space<hbm>> -> memref<2x128xi32, #tpu.memory_space<hbm>>
      %dma_wait3A_585 = arith.constant 0 : i32
      %dma_wait3A_586 = tpu.memref_slice %arg4[%mul3A_426, %dma_wait3A_585] : memref<80x128xi32, #tpu.memory_space<vmem>> -> memref<2x128xi32, #tpu.memory_space<vmem>>
      %dma_wait3A_587 = arith.constant 0 : i32
      %dma_wait3A_588 = tpu.memref_slice %arg2[%dma_wait3A_587, %mul3A_420] : memref<2x160000xi32, #tpu.memory_space<hbm>> -> memref<2x128xi32, #tpu.memory_space<hbm>>
      tpu.wait_dma2 semaphore(%arg8 : memref<!tpu.dma_semaphore, #tpu.memory_space<semaphore_mem>>) src(%dma_wait3A_588 : memref<2x128xi32, #tpu.memory_space<hbm>>) dst(%dma_wait3A_586 : memref<2x128xi32, #tpu.memory_space<vmem>>)
      %dma_wait3A_589 = arith.constant 0 : i32
      %dma_wait3A_590 = tpu.memref_slice %arg4[%mul3A_449, %dma_wait3A_589] : memref<80x128xi32, #tpu.memory_space<vmem>> -> memref<2x128xi32, #tpu.memory_space<vmem>>
      %dma_wait3A_591 = arith.constant 0 : i32
      %dma_wait3A_592 = tpu.memref_slice %arg2[%dma_wait3A_591, %mul3A_443] : memref<2x160000xi32, #tpu.memory_space<hbm>> -> memref<2x128xi32, #tpu.memory_space<hbm>>
      %dma_wait3A_593 = arith.constant 0 : i32
      %dma_wait3A_594 = tpu.memref_slice %arg4[%mul3A_449, %dma_wait3A_593] : memref<80x128xi32, #tpu.memory_space<vmem>> -> memref<2x128xi32, #tpu.memory_space<vmem>>
      %dma_wait3A_595 = arith.constant 0 : i32
      %dma_wait3A_596 = tpu.memref_slice %arg2[%dma_wait3A_595, %mul3A_443] : memref<2x160000xi32, #tpu.memory_space<hbm>> -> memref<2x128xi32, #tpu.memory_space<hbm>>
      tpu.wait_dma2 semaphore(%arg8 : memref<!tpu.dma_semaphore, #tpu.memory_space<semaphore_mem>>) src(%dma_wait3A_596 : memref<2x128xi32, #tpu.memory_space<hbm>>) dst(%dma_wait3A_594 : memref<2x128xi32, #tpu.memory_space<vmem>>)
      %dma_wait3A_597 = arith.constant 0 : i32
      %dma_wait3A_598 = tpu.memref_slice %arg4[%mul3A_472, %dma_wait3A_597] : memref<80x128xi32, #tpu.memory_space<vmem>> -> memref<2x128xi32, #tpu.memory_space<vmem>>
      %dma_wait3A_599 = arith.constant 0 : i32
      %dma_wait3A_600 = tpu.memref_slice %arg2[%dma_wait3A_599, %mul3A_466] : memref<2x160000xi32, #tpu.memory_space<hbm>> -> memref<2x128xi32, #tpu.memory_space<hbm>>
      %dma_wait3A_601 = arith.constant 0 : i32
      %dma_wait3A_602 = tpu.memref_slice %arg4[%mul3A_472, %dma_wait3A_601] : memref<80x128xi32, #tpu.memory_space<vmem>> -> memref<2x128xi32, #tpu.memory_space<vmem>>
      %dma_wait3A_603 = arith.constant 0 : i32
      %dma_wait3A_604 = tpu.memref_slice %arg2[%dma_wait3A_603, %mul3A_466] : memref<2x160000xi32, #tpu.memory_space<hbm>> -> memref<2x128xi32, #tpu.memory_space<hbm>>
      tpu.wait_dma2 semaphore(%arg8 : memref<!tpu.dma_semaphore, #tpu.memory_space<semaphore_mem>>) src(%dma_wait3A_604 : memref<2x128xi32, #tpu.memory_space<hbm>>) dst(%dma_wait3A_602 : memref<2x128xi32, #tpu.memory_space<vmem>>)
      %dma_wait3A_605 = arith.constant 0 : i32
      %dma_wait3A_606 = tpu.memref_slice %arg4[%mul3A_495, %dma_wait3A_605] : memref<80x128xi32, #tpu.memory_space<vmem>> -> memref<2x128xi32, #tpu.memory_space<vmem>>
      %dma_wait3A_607 = arith.constant 0 : i32
      %dma_wait3A_608 = tpu.memref_slice %arg2[%dma_wait3A_607, %mul3A_489] : memref<2x160000xi32, #tpu.memory_space<hbm>> -> memref<2x128xi32, #tpu.memory_space<hbm>>
      %dma_wait3A_609 = arith.constant 0 : i32
      %dma_wait3A_610 = tpu.memref_slice %arg4[%mul3A_495, %dma_wait3A_609] : memref<80x128xi32, #tpu.memory_space<vmem>> -> memref<2x128xi32, #tpu.memory_space<vmem>>
      %dma_wait3A_611 = arith.constant 0 : i32
      %dma_wait3A_612 = tpu.memref_slice %arg2[%dma_wait3A_611, %mul3A_489] : memref<2x160000xi32, #tpu.memory_space<hbm>> -> memref<2x128xi32, #tpu.memory_space<hbm>>
      tpu.wait_dma2 semaphore(%arg8 : memref<!tpu.dma_semaphore, #tpu.memory_space<semaphore_mem>>) src(%dma_wait3A_612 : memref<2x128xi32, #tpu.memory_space<hbm>>) dst(%dma_wait3A_610 : memref<2x128xi32, #tpu.memory_space<vmem>>)
      %dma_wait3A_613 = arith.constant 0 : i32
      %dma_wait3A_614 = tpu.memref_slice %arg4[%mul3A_518, %dma_wait3A_613] : memref<80x128xi32, #tpu.memory_space<vmem>> -> memref<2x128xi32, #tpu.memory_space<vmem>>
      %dma_wait3A_615 = arith.constant 0 : i32
      %dma_wait3A_616 = tpu.memref_slice %arg2[%dma_wait3A_615, %mul3A_512] : memref<2x160000xi32, #tpu.memory_space<hbm>> -> memref<2x128xi32, #tpu.memory_space<hbm>>
      %dma_wait3A_617 = arith.constant 0 : i32
      %dma_wait3A_618 = tpu.memref_slice %arg4[%mul3A_518, %dma_wait3A_617] : memref<80x128xi32, #tpu.memory_space<vmem>> -> memref<2x128xi32, #tpu.memory_space<vmem>>
      %dma_wait3A_619 = arith.constant 0 : i32
      %dma_wait3A_620 = tpu.memref_slice %arg2[%dma_wait3A_619, %mul3A_512] : memref<2x160000xi32, #tpu.memory_space<hbm>> -> memref<2x128xi32, #tpu.memory_space<hbm>>
      tpu.wait_dma2 semaphore(%arg8 : memref<!tpu.dma_semaphore, #tpu.memory_space<semaphore_mem>>) src(%dma_wait3A_620 : memref<2x128xi32, #tpu.memory_space<hbm>>) dst(%dma_wait3A_618 : memref<2x128xi32, #tpu.memory_space<vmem>>)
      %dma_wait3A_621 = arith.constant 0 : i32
      %dma_wait3A_622 = tpu.memref_slice %arg4[%mul3A_541, %dma_wait3A_621] : memref<80x128xi32, #tpu.memory_space<vmem>> -> memref<2x128xi32, #tpu.memory_space<vmem>>
      %dma_wait3A_623 = arith.constant 0 : i32
      %dma_wait3A_624 = tpu.memref_slice %arg2[%dma_wait3A_623, %mul3A_535] : memref<2x160000xi32, #tpu.memory_space<hbm>> -> memref<2x128xi32, #tpu.memory_space<hbm>>
      %dma_wait3A_625 = arith.constant 0 : i32
      %dma_wait3A_626 = tpu.memref_slice %arg4[%mul3A_541, %dma_wait3A_625] : memref<80x128xi32, #tpu.memory_space<vmem>> -> memref<2x128xi32, #tpu.memory_space<vmem>>
      %dma_wait3A_627 = arith.constant 0 : i32
      %dma_wait3A_628 = tpu.memref_slice %arg2[%dma_wait3A_627, %mul3A_535] : memref<2x160000xi32, #tpu.memory_space<hbm>> -> memref<2x128xi32, #tpu.memory_space<hbm>>
      tpu.wait_dma2 semaphore(%arg8 : memref<!tpu.dma_semaphore, #tpu.memory_space<semaphore_mem>>) src(%dma_wait3A_628 : memref<2x128xi32, #tpu.memory_space<hbm>>) dst(%dma_wait3A_626 : memref<2x128xi32, #tpu.memory_space<vmem>>)
    }
    %barrier3A = arith.constant 0 : index
    tpu.barrier barrier_id(%barrier3A)
    %lt3A_300 = arith.constant 31 : i32
    %lt3A_301 = arith.cmpi slt, %add3A, %lt3A_300 : i32
    %jit3A_302 = arith.constant 4 : i32
    %jit3A_303 = arith.constant 1 : i32
    %select_n3A_304 = arith.select %lt3A_301, %jit3A_302, %jit3A_303 : i32
    %while3A_305 = arith.constant 0 : i32
    %while3A_306 = arith.constant 0 : i32
    %while3A_307 = arith.subi %select_n3A_304, %while3A_306 : i32
    %while3A_308 = arith.addi %while3A_306, %while3A_307 : i32
    %while3A_309 = arith.constant 1 : i32
    %while3A_310 = arith.divsi %while3A_307, %while3A_309 : i32
    %while3A_311 = arith.muli %while3A_310, %while3A_309 : i32
    %while3A_312 = arith.addi %while3A_306, %while3A_311 : i32
    %while3A_313 = arith.constant 1 : i32
    scf.for %while3A_320 = %while3A_306 to %while3A_312 step %while3A_313  : i32 {
      %mul3A_321 = arith.constant 10 : i32
      %mul3A_322 = arith.muli %while3A_320, %mul3A_321 : i32
      %add3A_323 = arith.constant 0 : i32
      %add3A_324 = arith.addi %mul3A_322, %add3A_323 : i32
      %mul3A_325 = arith.constant 2 : i32
      %mul3A_326 = arith.muli %mul3A_325, %add3A_324 : i32
      %add3A_327 = arith.constant 1 : i32
      %add3A_328 = arith.addi %mul3A_326, %add3A_327 : i32
      %dma_start3A = arith.constant 0 : i32
      %dma_start3A_329 = tpu.memref_slice %arg4[%add3A_328, %dma_start3A] : memref<80x128xi32, #tpu.memory_space<vmem>> -> memref<1x128xi32, #tpu.memory_space<vmem>>
      %dma_start3A_330 = tpu.memref_squeeze %dma_start3A_329 : memref<1x128xi32, #tpu.memory_space<vmem>> -> memref<128xi32, #tpu.memory_space<vmem>>
      %dma_start3A_331 = arith.constant 0 : i32
      %dma_start3A_332 = tpu.memref_slice %arg7[%dma_start3A_331] : memref<10240xi32, #tpu.memory_space<vmem_shared>> -> memref<10240xi32, #tpu.memory_space<vmem_shared>>
      tpu.enqueue_indirect_dma source(%arg5 : memref<128xi32, #tpu.memory_space<vmem>>) target(%dma_start3A_332 : memref<10240xi32, #tpu.memory_space<vmem_shared>>) offsets(%dma_start3A_330 : memref<128xi32, #tpu.memory_space<vmem>>) semaphore(%arg8 : memref<!tpu.dma_semaphore, #tpu.memory_space<semaphore_mem>>) {add = true}
      %mul3A_333 = arith.constant 10 : i32
      %mul3A_334 = arith.muli %while3A_320, %mul3A_333 : i32
      %add3A_335 = arith.constant 1 : i32
      %add3A_336 = arith.addi %mul3A_334, %add3A_335 : i32
      %mul3A_337 = arith.constant 2 : i32
      %mul3A_338 = arith.muli %mul3A_337, %add3A_336 : i32
      %add3A_339 = arith.constant 1 : i32
      %add3A_340 = arith.addi %mul3A_338, %add3A_339 : i32
      %dma_start3A_341 = arith.constant 0 : i32
      %dma_start3A_342 = tpu.memref_slice %arg4[%add3A_340, %dma_start3A_341] : memref<80x128xi32, #tpu.memory_space<vmem>> -> memref<1x128xi32, #tpu.memory_space<vmem>>
      %dma_start3A_343 = tpu.memref_squeeze %dma_start3A_342 : memref<1x128xi32, #tpu.memory_space<vmem>> -> memref<128xi32, #tpu.memory_space<vmem>>
      %dma_start3A_344 = arith.constant 0 : i32
      %dma_start3A_345 = tpu.memref_slice %arg7[%dma_start3A_344] : memref<10240xi32, #tpu.memory_space<vmem_shared>> -> memref<10240xi32, #tpu.memory_space<vmem_shared>>
      tpu.enqueue_indirect_dma source(%arg5 : memref<128xi32, #tpu.memory_space<vmem>>) target(%dma_start3A_345 : memref<10240xi32, #tpu.memory_space<vmem_shared>>) offsets(%dma_start3A_343 : memref<128xi32, #tpu.memory_space<vmem>>) semaphore(%arg8 : memref<!tpu.dma_semaphore, #tpu.memory_space<semaphore_mem>>) {add = true}
      %mul3A_346 = arith.constant 10 : i32
      %mul3A_347 = arith.muli %while3A_320, %mul3A_346 : i32
      %add3A_348 = arith.constant 2 : i32
      %add3A_349 = arith.addi %mul3A_347, %add3A_348 : i32
      %mul3A_350 = arith.constant 2 : i32
      %mul3A_351 = arith.muli %mul3A_350, %add3A_349 : i32
      %add3A_352 = arith.constant 1 : i32
      %add3A_353 = arith.addi %mul3A_351, %add3A_352 : i32
      %dma_start3A_354 = arith.constant 0 : i32
      %dma_start3A_355 = tpu.memref_slice %arg4[%add3A_353, %dma_start3A_354] : memref<80x128xi32, #tpu.memory_space<vmem>> -> memref<1x128xi32, #tpu.memory_space<vmem>>
      %dma_start3A_356 = tpu.memref_squeeze %dma_start3A_355 : memref<1x128xi32, #tpu.memory_space<vmem>> -> memref<128xi32, #tpu.memory_space<vmem>>
      %dma_start3A_357 = arith.constant 0 : i32
      %dma_start3A_358 = tpu.memref_slice %arg7[%dma_start3A_357] : memref<10240xi32, #tpu.memory_space<vmem_shared>> -> memref<10240xi32, #tpu.memory_space<vmem_shared>>
      tpu.enqueue_indirect_dma source(%arg5 : memref<128xi32, #tpu.memory_space<vmem>>) target(%dma_start3A_358 : memref<10240xi32, #tpu.memory_space<vmem_shared>>) offsets(%dma_start3A_356 : memref<128xi32, #tpu.memory_space<vmem>>) semaphore(%arg8 : memref<!tpu.dma_semaphore, #tpu.memory_space<semaphore_mem>>) {add = true}
      %mul3A_359 = arith.constant 10 : i32
      %mul3A_360 = arith.muli %while3A_320, %mul3A_359 : i32
      %add3A_361 = arith.constant 3 : i32
      %add3A_362 = arith.addi %mul3A_360, %add3A_361 : i32
      %mul3A_363 = arith.constant 2 : i32
      %mul3A_364 = arith.muli %mul3A_363, %add3A_362 : i32
      %add3A_365 = arith.constant 1 : i32
      %add3A_366 = arith.addi %mul3A_364, %add3A_365 : i32
      %dma_start3A_367 = arith.constant 0 : i32
      %dma_start3A_368 = tpu.memref_slice %arg4[%add3A_366, %dma_start3A_367] : memref<80x128xi32, #tpu.memory_space<vmem>> -> memref<1x128xi32, #tpu.memory_space<vmem>>
      %dma_start3A_369 = tpu.memref_squeeze %dma_start3A_368 : memref<1x128xi32, #tpu.memory_space<vmem>> -> memref<128xi32, #tpu.memory_space<vmem>>
      %dma_start3A_370 = arith.constant 0 : i32
      %dma_start3A_371 = tpu.memref_slice %arg7[%dma_start3A_370] : memref<10240xi32, #tpu.memory_space<vmem_shared>> -> memref<10240xi32, #tpu.memory_space<vmem_shared>>
      tpu.enqueue_indirect_dma source(%arg5 : memref<128xi32, #tpu.memory_space<vmem>>) target(%dma_start3A_371 : memref<10240xi32, #tpu.memory_space<vmem_shared>>) offsets(%dma_start3A_369 : memref<128xi32, #tpu.memory_space<vmem>>) semaphore(%arg8 : memref<!tpu.dma_semaphore, #tpu.memory_space<semaphore_mem>>) {add = true}
      %mul3A_372 = arith.constant 10 : i32
      %mul3A_373 = arith.muli %while3A_320, %mul3A_372 : i32
      %add3A_374 = arith.constant 4 : i32
      %add3A_375 = arith.addi %mul3A_373, %add3A_374 : i32
      %mul3A_376 = arith.constant 2 : i32
      %mul3A_377 = arith.muli %mul3A_376, %add3A_375 : i32
      %add3A_378 = arith.constant 1 : i32
      %add3A_379 = arith.addi %mul3A_377, %add3A_378 : i32
      %dma_start3A_380 = arith.constant 0 : i32
      %dma_start3A_381 = tpu.memref_slice %arg4[%add3A_379, %dma_start3A_380] : memref<80x128xi32, #tpu.memory_space<vmem>> -> memref<1x128xi32, #tpu.memory_space<vmem>>
      %dma_start3A_382 = tpu.memref_squeeze %dma_start3A_381 : memref<1x128xi32, #tpu.memory_space<vmem>> -> memref<128xi32, #tpu.memory_space<vmem>>
      %dma_start3A_383 = arith.constant 0 : i32
      %dma_start3A_384 = tpu.memref_slice %arg7[%dma_start3A_383] : memref<10240xi32, #tpu.memory_space<vmem_shared>> -> memref<10240xi32, #tpu.memory_space<vmem_shared>>
      tpu.enqueue_indirect_dma source(%arg5 : memref<128xi32, #tpu.memory_space<vmem>>) target(%dma_start3A_384 : memref<10240xi32, #tpu.memory_space<vmem_shared>>) offsets(%dma_start3A_382 : memref<128xi32, #tpu.memory_space<vmem>>) semaphore(%arg8 : memref<!tpu.dma_semaphore, #tpu.memory_space<semaphore_mem>>) {add = true}
      %mul3A_385 = arith.constant 10 : i32
      %mul3A_386 = arith.muli %while3A_320, %mul3A_385 : i32
      %add3A_387 = arith.constant 5 : i32
      %add3A_388 = arith.addi %mul3A_386, %add3A_387 : i32
      %mul3A_389 = arith.constant 2 : i32
      %mul3A_390 = arith.muli %mul3A_389, %add3A_388 : i32
      %add3A_391 = arith.constant 1 : i32
      %add3A_392 = arith.addi %mul3A_390, %add3A_391 : i32
      %dma_start3A_393 = arith.constant 0 : i32
      %dma_start3A_394 = tpu.memref_slice %arg4[%add3A_392, %dma_start3A_393] : memref<80x128xi32, #tpu.memory_space<vmem>> -> memref<1x128xi32, #tpu.memory_space<vmem>>
      %dma_start3A_395 = tpu.memref_squeeze %dma_start3A_394 : memref<1x128xi32, #tpu.memory_space<vmem>> -> memref<128xi32, #tpu.memory_space<vmem>>
      %dma_start3A_396 = arith.constant 0 : i32
      %dma_start3A_397 = tpu.memref_slice %arg7[%dma_start3A_396] : memref<10240xi32, #tpu.memory_space<vmem_shared>> -> memref<10240xi32, #tpu.memory_space<vmem_shared>>
      tpu.enqueue_indirect_dma source(%arg5 : memref<128xi32, #tpu.memory_space<vmem>>) target(%dma_start3A_397 : memref<10240xi32, #tpu.memory_space<vmem_shared>>) offsets(%dma_start3A_395 : memref<128xi32, #tpu.memory_space<vmem>>) semaphore(%arg8 : memref<!tpu.dma_semaphore, #tpu.memory_space<semaphore_mem>>) {add = true}
      %mul3A_398 = arith.constant 10 : i32
      %mul3A_399 = arith.muli %while3A_320, %mul3A_398 : i32
      %add3A_400 = arith.constant 6 : i32
      %add3A_401 = arith.addi %mul3A_399, %add3A_400 : i32
      %mul3A_402 = arith.constant 2 : i32
      %mul3A_403 = arith.muli %mul3A_402, %add3A_401 : i32
      %add3A_404 = arith.constant 1 : i32
      %add3A_405 = arith.addi %mul3A_403, %add3A_404 : i32
      %dma_start3A_406 = arith.constant 0 : i32
      %dma_start3A_407 = tpu.memref_slice %arg4[%add3A_405, %dma_start3A_406] : memref<80x128xi32, #tpu.memory_space<vmem>> -> memref<1x128xi32, #tpu.memory_space<vmem>>
      %dma_start3A_408 = tpu.memref_squeeze %dma_start3A_407 : memref<1x128xi32, #tpu.memory_space<vmem>> -> memref<128xi32, #tpu.memory_space<vmem>>
      %dma_start3A_409 = arith.constant 0 : i32
      %dma_start3A_410 = tpu.memref_slice %arg7[%dma_start3A_409] : memref<10240xi32, #tpu.memory_space<vmem_shared>> -> memref<10240xi32, #tpu.memory_space<vmem_shared>>
      tpu.enqueue_indirect_dma source(%arg5 : memref<128xi32, #tpu.memory_space<vmem>>) target(%dma_start3A_410 : memref<10240xi32, #tpu.memory_space<vmem_shared>>) offsets(%dma_start3A_408 : memref<128xi32, #tpu.memory_space<vmem>>) semaphore(%arg8 : memref<!tpu.dma_semaphore, #tpu.memory_space<semaphore_mem>>) {add = true}
      %mul3A_411 = arith.constant 10 : i32
      %mul3A_412 = arith.muli %while3A_320, %mul3A_411 : i32
      %add3A_413 = arith.constant 7 : i32
      %add3A_414 = arith.addi %mul3A_412, %add3A_413 : i32
      %mul3A_415 = arith.constant 2 : i32
      %mul3A_416 = arith.muli %mul3A_415, %add3A_414 : i32
      %add3A_417 = arith.constant 1 : i32
      %add3A_418 = arith.addi %mul3A_416, %add3A_417 : i32
      %dma_start3A_419 = arith.constant 0 : i32
      %dma_start3A_420 = tpu.memref_slice %arg4[%add3A_418, %dma_start3A_419] : memref<80x128xi32, #tpu.memory_space<vmem>> -> memref<1x128xi32, #tpu.memory_space<vmem>>
      %dma_start3A_421 = tpu.memref_squeeze %dma_start3A_420 : memref<1x128xi32, #tpu.memory_space<vmem>> -> memref<128xi32, #tpu.memory_space<vmem>>
      %dma_start3A_422 = arith.constant 0 : i32
      %dma_start3A_423 = tpu.memref_slice %arg7[%dma_start3A_422] : memref<10240xi32, #tpu.memory_space<vmem_shared>> -> memref<10240xi32, #tpu.memory_space<vmem_shared>>
      tpu.enqueue_indirect_dma source(%arg5 : memref<128xi32, #tpu.memory_space<vmem>>) target(%dma_start3A_423 : memref<10240xi32, #tpu.memory_space<vmem_shared>>) offsets(%dma_start3A_421 : memref<128xi32, #tpu.memory_space<vmem>>) semaphore(%arg8 : memref<!tpu.dma_semaphore, #tpu.memory_space<semaphore_mem>>) {add = true}
      %mul3A_424 = arith.constant 10 : i32
      %mul3A_425 = arith.muli %while3A_320, %mul3A_424 : i32
      %add3A_426 = arith.constant 8 : i32
      %add3A_427 = arith.addi %mul3A_425, %add3A_426 : i32
      %mul3A_428 = arith.constant 2 : i32
      %mul3A_429 = arith.muli %mul3A_428, %add3A_427 : i32
      %add3A_430 = arith.constant 1 : i32
      %add3A_431 = arith.addi %mul3A_429, %add3A_430 : i32
      %dma_start3A_432 = arith.constant 0 : i32
      %dma_start3A_433 = tpu.memref_slice %arg4[%add3A_431, %dma_start3A_432] : memref<80x128xi32, #tpu.memory_space<vmem>> -> memref<1x128xi32, #tpu.memory_space<vmem>>
      %dma_start3A_434 = tpu.memref_squeeze %dma_start3A_433 : memref<1x128xi32, #tpu.memory_space<vmem>> -> memref<128xi32, #tpu.memory_space<vmem>>
      %dma_start3A_435 = arith.constant 0 : i32
      %dma_start3A_436 = tpu.memref_slice %arg7[%dma_start3A_435] : memref<10240xi32, #tpu.memory_space<vmem_shared>> -> memref<10240xi32, #tpu.memory_space<vmem_shared>>
      tpu.enqueue_indirect_dma source(%arg5 : memref<128xi32, #tpu.memory_space<vmem>>) target(%dma_start3A_436 : memref<10240xi32, #tpu.memory_space<vmem_shared>>) offsets(%dma_start3A_434 : memref<128xi32, #tpu.memory_space<vmem>>) semaphore(%arg8 : memref<!tpu.dma_semaphore, #tpu.memory_space<semaphore_mem>>) {add = true}
      %mul3A_437 = arith.constant 10 : i32
      %mul3A_438 = arith.muli %while3A_320, %mul3A_437 : i32
      %add3A_439 = arith.constant 9 : i32
      %add3A_440 = arith.addi %mul3A_438, %add3A_439 : i32
      %mul3A_441 = arith.constant 2 : i32
      %mul3A_442 = arith.muli %mul3A_441, %add3A_440 : i32
      %add3A_443 = arith.constant 1 : i32
      %add3A_444 = arith.addi %mul3A_442, %add3A_443 : i32
      %dma_start3A_445 = arith.constant 0 : i32
      %dma_start3A_446 = tpu.memref_slice %arg4[%add3A_444, %dma_start3A_445] : memref<80x128xi32, #tpu.memory_space<vmem>> -> memref<1x128xi32, #tpu.memory_space<vmem>>
      %dma_start3A_447 = tpu.memref_squeeze %dma_start3A_446 : memref<1x128xi32, #tpu.memory_space<vmem>> -> memref<128xi32, #tpu.memory_space<vmem>>
      %dma_start3A_448 = arith.constant 0 : i32
      %dma_start3A_449 = tpu.memref_slice %arg7[%dma_start3A_448] : memref<10240xi32, #tpu.memory_space<vmem_shared>> -> memref<10240xi32, #tpu.memory_space<vmem_shared>>
      tpu.enqueue_indirect_dma source(%arg5 : memref<128xi32, #tpu.memory_space<vmem>>) target(%dma_start3A_449 : memref<10240xi32, #tpu.memory_space<vmem_shared>>) offsets(%dma_start3A_447 : memref<128xi32, #tpu.memory_space<vmem>>) semaphore(%arg8 : memref<!tpu.dma_semaphore, #tpu.memory_space<semaphore_mem>>) {add = true}
      %dma_wait3A = arith.constant 0 : i32
      %dma_wait3A_450 = tpu.memref_slice %arg4[%add3A_328, %dma_wait3A] : memref<80x128xi32, #tpu.memory_space<vmem>> -> memref<1x128xi32, #tpu.memory_space<vmem>>
      %dma_wait3A_451 = tpu.memref_squeeze %dma_wait3A_450 : memref<1x128xi32, #tpu.memory_space<vmem>> -> memref<128xi32, #tpu.memory_space<vmem>>
      %dma_wait3A_452 = arith.constant 0 : i32
      %dma_wait3A_453 = tpu.memref_slice %arg7[%dma_wait3A_452] : memref<10240xi32, #tpu.memory_space<vmem_shared>> -> memref<10240xi32, #tpu.memory_space<vmem_shared>>
      tpu.wait_indirect_dma semaphore(%arg8 : memref<!tpu.dma_semaphore, #tpu.memory_space<semaphore_mem>>) src(%arg5 : memref<128xi32, #tpu.memory_space<vmem>>) dst(%dma_wait3A_453 : memref<10240xi32, #tpu.memory_space<vmem_shared>>)
      %dma_wait3A_454 = arith.constant 0 : i32
      %dma_wait3A_455 = tpu.memref_slice %arg4[%add3A_340, %dma_wait3A_454] : memref<80x128xi32, #tpu.memory_space<vmem>> -> memref<1x128xi32, #tpu.memory_space<vmem>>
      %dma_wait3A_456 = tpu.memref_squeeze %dma_wait3A_455 : memref<1x128xi32, #tpu.memory_space<vmem>> -> memref<128xi32, #tpu.memory_space<vmem>>
      %dma_wait3A_457 = arith.constant 0 : i32
      %dma_wait3A_458 = tpu.memref_slice %arg7[%dma_wait3A_457] : memref<10240xi32, #tpu.memory_space<vmem_shared>> -> memref<10240xi32, #tpu.memory_space<vmem_shared>>
      tpu.wait_indirect_dma semaphore(%arg8 : memref<!tpu.dma_semaphore, #tpu.memory_space<semaphore_mem>>) src(%arg5 : memref<128xi32, #tpu.memory_space<vmem>>) dst(%dma_wait3A_458 : memref<10240xi32, #tpu.memory_space<vmem_shared>>)
      %dma_wait3A_459 = arith.constant 0 : i32
      %dma_wait3A_460 = tpu.memref_slice %arg4[%add3A_353, %dma_wait3A_459] : memref<80x128xi32, #tpu.memory_space<vmem>> -> memref<1x128xi32, #tpu.memory_space<vmem>>
      %dma_wait3A_461 = tpu.memref_squeeze %dma_wait3A_460 : memref<1x128xi32, #tpu.memory_space<vmem>> -> memref<128xi32, #tpu.memory_space<vmem>>
      %dma_wait3A_462 = arith.constant 0 : i32
      %dma_wait3A_463 = tpu.memref_slice %arg7[%dma_wait3A_462] : memref<10240xi32, #tpu.memory_space<vmem_shared>> -> memref<10240xi32, #tpu.memory_space<vmem_shared>>
      tpu.wait_indirect_dma semaphore(%arg8 : memref<!tpu.dma_semaphore, #tpu.memory_space<semaphore_mem>>) src(%arg5 : memref<128xi32, #tpu.memory_space<vmem>>) dst(%dma_wait3A_463 : memref<10240xi32, #tpu.memory_space<vmem_shared>>)
      %dma_wait3A_464 = arith.constant 0 : i32
      %dma_wait3A_465 = tpu.memref_slice %arg4[%add3A_366, %dma_wait3A_464] : memref<80x128xi32, #tpu.memory_space<vmem>> -> memref<1x128xi32, #tpu.memory_space<vmem>>
      %dma_wait3A_466 = tpu.memref_squeeze %dma_wait3A_465 : memref<1x128xi32, #tpu.memory_space<vmem>> -> memref<128xi32, #tpu.memory_space<vmem>>
      %dma_wait3A_467 = arith.constant 0 : i32
      %dma_wait3A_468 = tpu.memref_slice %arg7[%dma_wait3A_467] : memref<10240xi32, #tpu.memory_space<vmem_shared>> -> memref<10240xi32, #tpu.memory_space<vmem_shared>>
      tpu.wait_indirect_dma semaphore(%arg8 : memref<!tpu.dma_semaphore, #tpu.memory_space<semaphore_mem>>) src(%arg5 : memref<128xi32, #tpu.memory_space<vmem>>) dst(%dma_wait3A_468 : memref<10240xi32, #tpu.memory_space<vmem_shared>>)
      %dma_wait3A_469 = arith.constant 0 : i32
      %dma_wait3A_470 = tpu.memref_slice %arg4[%add3A_379, %dma_wait3A_469] : memref<80x128xi32, #tpu.memory_space<vmem>> -> memref<1x128xi32, #tpu.memory_space<vmem>>
      %dma_wait3A_471 = tpu.memref_squeeze %dma_wait3A_470 : memref<1x128xi32, #tpu.memory_space<vmem>> -> memref<128xi32, #tpu.memory_space<vmem>>
      %dma_wait3A_472 = arith.constant 0 : i32
      %dma_wait3A_473 = tpu.memref_slice %arg7[%dma_wait3A_472] : memref<10240xi32, #tpu.memory_space<vmem_shared>> -> memref<10240xi32, #tpu.memory_space<vmem_shared>>
      tpu.wait_indirect_dma semaphore(%arg8 : memref<!tpu.dma_semaphore, #tpu.memory_space<semaphore_mem>>) src(%arg5 : memref<128xi32, #tpu.memory_space<vmem>>) dst(%dma_wait3A_473 : memref<10240xi32, #tpu.memory_space<vmem_shared>>)
      %dma_wait3A_474 = arith.constant 0 : i32
      %dma_wait3A_475 = tpu.memref_slice %arg4[%add3A_392, %dma_wait3A_474] : memref<80x128xi32, #tpu.memory_space<vmem>> -> memref<1x128xi32, #tpu.memory_space<vmem>>
      %dma_wait3A_476 = tpu.memref_squeeze %dma_wait3A_475 : memref<1x128xi32, #tpu.memory_space<vmem>> -> memref<128xi32, #tpu.memory_space<vmem>>
      %dma_wait3A_477 = arith.constant 0 : i32
      %dma_wait3A_478 = tpu.memref_slice %arg7[%dma_wait3A_477] : memref<10240xi32, #tpu.memory_space<vmem_shared>> -> memref<10240xi32, #tpu.memory_space<vmem_shared>>
      tpu.wait_indirect_dma semaphore(%arg8 : memref<!tpu.dma_semaphore, #tpu.memory_space<semaphore_mem>>) src(%arg5 : memref<128xi32, #tpu.memory_space<vmem>>) dst(%dma_wait3A_478 : memref<10240xi32, #tpu.memory_space<vmem_shared>>)
      %dma_wait3A_479 = arith.constant 0 : i32
      %dma_wait3A_480 = tpu.memref_slice %arg4[%add3A_405, %dma_wait3A_479] : memref<80x128xi32, #tpu.memory_space<vmem>> -> memref<1x128xi32, #tpu.memory_space<vmem>>
      %dma_wait3A_481 = tpu.memref_squeeze %dma_wait3A_480 : memref<1x128xi32, #tpu.memory_space<vmem>> -> memref<128xi32, #tpu.memory_space<vmem>>
      %dma_wait3A_482 = arith.constant 0 : i32
      %dma_wait3A_483 = tpu.memref_slice %arg7[%dma_wait3A_482] : memref<10240xi32, #tpu.memory_space<vmem_shared>> -> memref<10240xi32, #tpu.memory_space<vmem_shared>>
      tpu.wait_indirect_dma semaphore(%arg8 : memref<!tpu.dma_semaphore, #tpu.memory_space<semaphore_mem>>) src(%arg5 : memref<128xi32, #tpu.memory_space<vmem>>) dst(%dma_wait3A_483 : memref<10240xi32, #tpu.memory_space<vmem_shared>>)
      %dma_wait3A_484 = arith.constant 0 : i32
      %dma_wait3A_485 = tpu.memref_slice %arg4[%add3A_418, %dma_wait3A_484] : memref<80x128xi32, #tpu.memory_space<vmem>> -> memref<1x128xi32, #tpu.memory_space<vmem>>
      %dma_wait3A_486 = tpu.memref_squeeze %dma_wait3A_485 : memref<1x128xi32, #tpu.memory_space<vmem>> -> memref<128xi32, #tpu.memory_space<vmem>>
      %dma_wait3A_487 = arith.constant 0 : i32
      %dma_wait3A_488 = tpu.memref_slice %arg7[%dma_wait3A_487] : memref<10240xi32, #tpu.memory_space<vmem_shared>> -> memref<10240xi32, #tpu.memory_space<vmem_shared>>
      tpu.wait_indirect_dma semaphore(%arg8 : memref<!tpu.dma_semaphore, #tpu.memory_space<semaphore_mem>>) src(%arg5 : memref<128xi32, #tpu.memory_space<vmem>>) dst(%dma_wait3A_488 : memref<10240xi32, #tpu.memory_space<vmem_shared>>)
      %dma_wait3A_489 = arith.constant 0 : i32
      %dma_wait3A_490 = tpu.memref_slice %arg4[%add3A_431, %dma_wait3A_489] : memref<80x128xi32, #tpu.memory_space<vmem>> -> memref<1x128xi32, #tpu.memory_space<vmem>>
      %dma_wait3A_491 = tpu.memref_squeeze %dma_wait3A_490 : memref<1x128xi32, #tpu.memory_space<vmem>> -> memref<128xi32, #tpu.memory_space<vmem>>
      %dma_wait3A_492 = arith.constant 0 : i32
      %dma_wait3A_493 = tpu.memref_slice %arg7[%dma_wait3A_492] : memref<10240xi32, #tpu.memory_space<vmem_shared>> -> memref<10240xi32, #tpu.memory_space<vmem_shared>>
      tpu.wait_indirect_dma semaphore(%arg8 : memref<!tpu.dma_semaphore, #tpu.memory_space<semaphore_mem>>) src(%arg5 : memref<128xi32, #tpu.memory_space<vmem>>) dst(%dma_wait3A_493 : memref<10240xi32, #tpu.memory_space<vmem_shared>>)
      %dma_wait3A_494 = arith.constant 0 : i32
      %dma_wait3A_495 = tpu.memref_slice %arg4[%add3A_444, %dma_wait3A_494] : memref<80x128xi32, #tpu.memory_space<vmem>> -> memref<1x128xi32, #tpu.memory_space<vmem>>
      %dma_wait3A_496 = tpu.memref_squeeze %dma_wait3A_495 : memref<1x128xi32, #tpu.memory_space<vmem>> -> memref<128xi32, #tpu.memory_space<vmem>>
      %dma_wait3A_497 = arith.constant 0 : i32
      %dma_wait3A_498 = tpu.memref_slice %arg7[%dma_wait3A_497] : memref<10240xi32, #tpu.memory_space<vmem_shared>> -> memref<10240xi32, #tpu.memory_space<vmem_shared>>
      tpu.wait_indirect_dma semaphore(%arg8 : memref<!tpu.dma_semaphore, #tpu.memory_space<semaphore_mem>>) src(%arg5 : memref<128xi32, #tpu.memory_space<vmem>>) dst(%dma_wait3A_498 : memref<10240xi32, #tpu.memory_space<vmem_shared>>)
    }
    %while3A_314 = arith.constant 1 : i32
    scf.for %while3A_320 = %while3A_312 to %while3A_308 step %while3A_314  : i32 {
      %mul3A_321 = arith.constant 10 : i32
      %mul3A_322 = arith.muli %while3A_320, %mul3A_321 : i32
      %add3A_323 = arith.constant 0 : i32
      %add3A_324 = arith.addi %mul3A_322, %add3A_323 : i32
      %mul3A_325 = arith.constant 2 : i32
      %mul3A_326 = arith.muli %mul3A_325, %add3A_324 : i32
      %add3A_327 = arith.constant 1 : i32
      %add3A_328 = arith.addi %mul3A_326, %add3A_327 : i32
      %dma_start3A = arith.constant 0 : i32
      %dma_start3A_329 = tpu.memref_slice %arg4[%add3A_328, %dma_start3A] : memref<80x128xi32, #tpu.memory_space<vmem>> -> memref<1x128xi32, #tpu.memory_space<vmem>>
      %dma_start3A_330 = tpu.memref_squeeze %dma_start3A_329 : memref<1x128xi32, #tpu.memory_space<vmem>> -> memref<128xi32, #tpu.memory_space<vmem>>
      %dma_start3A_331 = arith.constant 0 : i32
      %dma_start3A_332 = tpu.memref_slice %arg7[%dma_start3A_331] : memref<10240xi32, #tpu.memory_space<vmem_shared>> -> memref<10240xi32, #tpu.memory_space<vmem_shared>>
      tpu.enqueue_indirect_dma source(%arg5 : memref<128xi32, #tpu.memory_space<vmem>>) target(%dma_start3A_332 : memref<10240xi32, #tpu.memory_space<vmem_shared>>) offsets(%dma_start3A_330 : memref<128xi32, #tpu.memory_space<vmem>>) semaphore(%arg8 : memref<!tpu.dma_semaphore, #tpu.memory_space<semaphore_mem>>) {add = true}
      %mul3A_333 = arith.constant 10 : i32
      %mul3A_334 = arith.muli %while3A_320, %mul3A_333 : i32
      %add3A_335 = arith.constant 1 : i32
      %add3A_336 = arith.addi %mul3A_334, %add3A_335 : i32
      %mul3A_337 = arith.constant 2 : i32
      %mul3A_338 = arith.muli %mul3A_337, %add3A_336 : i32
      %add3A_339 = arith.constant 1 : i32
      %add3A_340 = arith.addi %mul3A_338, %add3A_339 : i32
      %dma_start3A_341 = arith.constant 0 : i32
      %dma_start3A_342 = tpu.memref_slice %arg4[%add3A_340, %dma_start3A_341] : memref<80x128xi32, #tpu.memory_space<vmem>> -> memref<1x128xi32, #tpu.memory_space<vmem>>
      %dma_start3A_343 = tpu.memref_squeeze %dma_start3A_342 : memref<1x128xi32, #tpu.memory_space<vmem>> -> memref<128xi32, #tpu.memory_space<vmem>>
      %dma_start3A_344 = arith.constant 0 : i32
      %dma_start3A_345 = tpu.memref_slice %arg7[%dma_start3A_344] : memref<10240xi32, #tpu.memory_space<vmem_shared>> -> memref<10240xi32, #tpu.memory_space<vmem_shared>>
      tpu.enqueue_indirect_dma source(%arg5 : memref<128xi32, #tpu.memory_space<vmem>>) target(%dma_start3A_345 : memref<10240xi32, #tpu.memory_space<vmem_shared>>) offsets(%dma_start3A_343 : memref<128xi32, #tpu.memory_space<vmem>>) semaphore(%arg8 : memref<!tpu.dma_semaphore, #tpu.memory_space<semaphore_mem>>) {add = true}
      %mul3A_346 = arith.constant 10 : i32
      %mul3A_347 = arith.muli %while3A_320, %mul3A_346 : i32
      %add3A_348 = arith.constant 2 : i32
      %add3A_349 = arith.addi %mul3A_347, %add3A_348 : i32
      %mul3A_350 = arith.constant 2 : i32
      %mul3A_351 = arith.muli %mul3A_350, %add3A_349 : i32
      %add3A_352 = arith.constant 1 : i32
      %add3A_353 = arith.addi %mul3A_351, %add3A_352 : i32
      %dma_start3A_354 = arith.constant 0 : i32
      %dma_start3A_355 = tpu.memref_slice %arg4[%add3A_353, %dma_start3A_354] : memref<80x128xi32, #tpu.memory_space<vmem>> -> memref<1x128xi32, #tpu.memory_space<vmem>>
      %dma_start3A_356 = tpu.memref_squeeze %dma_start3A_355 : memref<1x128xi32, #tpu.memory_space<vmem>> -> memref<128xi32, #tpu.memory_space<vmem>>
      %dma_start3A_357 = arith.constant 0 : i32
      %dma_start3A_358 = tpu.memref_slice %arg7[%dma_start3A_357] : memref<10240xi32, #tpu.memory_space<vmem_shared>> -> memref<10240xi32, #tpu.memory_space<vmem_shared>>
      tpu.enqueue_indirect_dma source(%arg5 : memref<128xi32, #tpu.memory_space<vmem>>) target(%dma_start3A_358 : memref<10240xi32, #tpu.memory_space<vmem_shared>>) offsets(%dma_start3A_356 : memref<128xi32, #tpu.memory_space<vmem>>) semaphore(%arg8 : memref<!tpu.dma_semaphore, #tpu.memory_space<semaphore_mem>>) {add = true}
      %mul3A_359 = arith.constant 10 : i32
      %mul3A_360 = arith.muli %while3A_320, %mul3A_359 : i32
      %add3A_361 = arith.constant 3 : i32
      %add3A_362 = arith.addi %mul3A_360, %add3A_361 : i32
      %mul3A_363 = arith.constant 2 : i32
      %mul3A_364 = arith.muli %mul3A_363, %add3A_362 : i32
      %add3A_365 = arith.constant 1 : i32
      %add3A_366 = arith.addi %mul3A_364, %add3A_365 : i32
      %dma_start3A_367 = arith.constant 0 : i32
      %dma_start3A_368 = tpu.memref_slice %arg4[%add3A_366, %dma_start3A_367] : memref<80x128xi32, #tpu.memory_space<vmem>> -> memref<1x128xi32, #tpu.memory_space<vmem>>
      %dma_start3A_369 = tpu.memref_squeeze %dma_start3A_368 : memref<1x128xi32, #tpu.memory_space<vmem>> -> memref<128xi32, #tpu.memory_space<vmem>>
      %dma_start3A_370 = arith.constant 0 : i32
      %dma_start3A_371 = tpu.memref_slice %arg7[%dma_start3A_370] : memref<10240xi32, #tpu.memory_space<vmem_shared>> -> memref<10240xi32, #tpu.memory_space<vmem_shared>>
      tpu.enqueue_indirect_dma source(%arg5 : memref<128xi32, #tpu.memory_space<vmem>>) target(%dma_start3A_371 : memref<10240xi32, #tpu.memory_space<vmem_shared>>) offsets(%dma_start3A_369 : memref<128xi32, #tpu.memory_space<vmem>>) semaphore(%arg8 : memref<!tpu.dma_semaphore, #tpu.memory_space<semaphore_mem>>) {add = true}
      %mul3A_372 = arith.constant 10 : i32
      %mul3A_373 = arith.muli %while3A_320, %mul3A_372 : i32
      %add3A_374 = arith.constant 4 : i32
      %add3A_375 = arith.addi %mul3A_373, %add3A_374 : i32
      %mul3A_376 = arith.constant 2 : i32
      %mul3A_377 = arith.muli %mul3A_376, %add3A_375 : i32
      %add3A_378 = arith.constant 1 : i32
      %add3A_379 = arith.addi %mul3A_377, %add3A_378 : i32
      %dma_start3A_380 = arith.constant 0 : i32
      %dma_start3A_381 = tpu.memref_slice %arg4[%add3A_379, %dma_start3A_380] : memref<80x128xi32, #tpu.memory_space<vmem>> -> memref<1x128xi32, #tpu.memory_space<vmem>>
      %dma_start3A_382 = tpu.memref_squeeze %dma_start3A_381 : memref<1x128xi32, #tpu.memory_space<vmem>> -> memref<128xi32, #tpu.memory_space<vmem>>
      %dma_start3A_383 = arith.constant 0 : i32
      %dma_start3A_384 = tpu.memref_slice %arg7[%dma_start3A_383] : memref<10240xi32, #tpu.memory_space<vmem_shared>> -> memref<10240xi32, #tpu.memory_space<vmem_shared>>
      tpu.enqueue_indirect_dma source(%arg5 : memref<128xi32, #tpu.memory_space<vmem>>) target(%dma_start3A_384 : memref<10240xi32, #tpu.memory_space<vmem_shared>>) offsets(%dma_start3A_382 : memref<128xi32, #tpu.memory_space<vmem>>) semaphore(%arg8 : memref<!tpu.dma_semaphore, #tpu.memory_space<semaphore_mem>>) {add = true}
      %mul3A_385 = arith.constant 10 : i32
      %mul3A_386 = arith.muli %while3A_320, %mul3A_385 : i32
      %add3A_387 = arith.constant 5 : i32
      %add3A_388 = arith.addi %mul3A_386, %add3A_387 : i32
      %mul3A_389 = arith.constant 2 : i32
      %mul3A_390 = arith.muli %mul3A_389, %add3A_388 : i32
      %add3A_391 = arith.constant 1 : i32
      %add3A_392 = arith.addi %mul3A_390, %add3A_391 : i32
      %dma_start3A_393 = arith.constant 0 : i32
      %dma_start3A_394 = tpu.memref_slice %arg4[%add3A_392, %dma_start3A_393] : memref<80x128xi32, #tpu.memory_space<vmem>> -> memref<1x128xi32, #tpu.memory_space<vmem>>
      %dma_start3A_395 = tpu.memref_squeeze %dma_start3A_394 : memref<1x128xi32, #tpu.memory_space<vmem>> -> memref<128xi32, #tpu.memory_space<vmem>>
      %dma_start3A_396 = arith.constant 0 : i32
      %dma_start3A_397 = tpu.memref_slice %arg7[%dma_start3A_396] : memref<10240xi32, #tpu.memory_space<vmem_shared>> -> memref<10240xi32, #tpu.memory_space<vmem_shared>>
      tpu.enqueue_indirect_dma source(%arg5 : memref<128xi32, #tpu.memory_space<vmem>>) target(%dma_start3A_397 : memref<10240xi32, #tpu.memory_space<vmem_shared>>) offsets(%dma_start3A_395 : memref<128xi32, #tpu.memory_space<vmem>>) semaphore(%arg8 : memref<!tpu.dma_semaphore, #tpu.memory_space<semaphore_mem>>) {add = true}
      %mul3A_398 = arith.constant 10 : i32
      %mul3A_399 = arith.muli %while3A_320, %mul3A_398 : i32
      %add3A_400 = arith.constant 6 : i32
      %add3A_401 = arith.addi %mul3A_399, %add3A_400 : i32
      %mul3A_402 = arith.constant 2 : i32
      %mul3A_403 = arith.muli %mul3A_402, %add3A_401 : i32
      %add3A_404 = arith.constant 1 : i32
      %add3A_405 = arith.addi %mul3A_403, %add3A_404 : i32
      %dma_start3A_406 = arith.constant 0 : i32
      %dma_start3A_407 = tpu.memref_slice %arg4[%add3A_405, %dma_start3A_406] : memref<80x128xi32, #tpu.memory_space<vmem>> -> memref<1x128xi32, #tpu.memory_space<vmem>>
      %dma_start3A_408 = tpu.memref_squeeze %dma_start3A_407 : memref<1x128xi32, #tpu.memory_space<vmem>> -> memref<128xi32, #tpu.memory_space<vmem>>
      %dma_start3A_409 = arith.constant 0 : i32
      %dma_start3A_410 = tpu.memref_slice %arg7[%dma_start3A_409] : memref<10240xi32, #tpu.memory_space<vmem_shared>> -> memref<10240xi32, #tpu.memory_space<vmem_shared>>
      tpu.enqueue_indirect_dma source(%arg5 : memref<128xi32, #tpu.memory_space<vmem>>) target(%dma_start3A_410 : memref<10240xi32, #tpu.memory_space<vmem_shared>>) offsets(%dma_start3A_408 : memref<128xi32, #tpu.memory_space<vmem>>) semaphore(%arg8 : memref<!tpu.dma_semaphore, #tpu.memory_space<semaphore_mem>>) {add = true}
      %mul3A_411 = arith.constant 10 : i32
      %mul3A_412 = arith.muli %while3A_320, %mul3A_411 : i32
      %add3A_413 = arith.constant 7 : i32
      %add3A_414 = arith.addi %mul3A_412, %add3A_413 : i32
      %mul3A_415 = arith.constant 2 : i32
      %mul3A_416 = arith.muli %mul3A_415, %add3A_414 : i32
      %add3A_417 = arith.constant 1 : i32
      %add3A_418 = arith.addi %mul3A_416, %add3A_417 : i32
      %dma_start3A_419 = arith.constant 0 : i32
      %dma_start3A_420 = tpu.memref_slice %arg4[%add3A_418, %dma_start3A_419] : memref<80x128xi32, #tpu.memory_space<vmem>> -> memref<1x128xi32, #tpu.memory_space<vmem>>
      %dma_start3A_421 = tpu.memref_squeeze %dma_start3A_420 : memref<1x128xi32, #tpu.memory_space<vmem>> -> memref<128xi32, #tpu.memory_space<vmem>>
      %dma_start3A_422 = arith.constant 0 : i32
      %dma_start3A_423 = tpu.memref_slice %arg7[%dma_start3A_422] : memref<10240xi32, #tpu.memory_space<vmem_shared>> -> memref<10240xi32, #tpu.memory_space<vmem_shared>>
      tpu.enqueue_indirect_dma source(%arg5 : memref<128xi32, #tpu.memory_space<vmem>>) target(%dma_start3A_423 : memref<10240xi32, #tpu.memory_space<vmem_shared>>) offsets(%dma_start3A_421 : memref<128xi32, #tpu.memory_space<vmem>>) semaphore(%arg8 : memref<!tpu.dma_semaphore, #tpu.memory_space<semaphore_mem>>) {add = true}
      %mul3A_424 = arith.constant 10 : i32
      %mul3A_425 = arith.muli %while3A_320, %mul3A_424 : i32
      %add3A_426 = arith.constant 8 : i32
      %add3A_427 = arith.addi %mul3A_425, %add3A_426 : i32
      %mul3A_428 = arith.constant 2 : i32
      %mul3A_429 = arith.muli %mul3A_428, %add3A_427 : i32
      %add3A_430 = arith.constant 1 : i32
      %add3A_431 = arith.addi %mul3A_429, %add3A_430 : i32
      %dma_start3A_432 = arith.constant 0 : i32
      %dma_start3A_433 = tpu.memref_slice %arg4[%add3A_431, %dma_start3A_432] : memref<80x128xi32, #tpu.memory_space<vmem>> -> memref<1x128xi32, #tpu.memory_space<vmem>>
      %dma_start3A_434 = tpu.memref_squeeze %dma_start3A_433 : memref<1x128xi32, #tpu.memory_space<vmem>> -> memref<128xi32, #tpu.memory_space<vmem>>
      %dma_start3A_435 = arith.constant 0 : i32
      %dma_start3A_436 = tpu.memref_slice %arg7[%dma_start3A_435] : memref<10240xi32, #tpu.memory_space<vmem_shared>> -> memref<10240xi32, #tpu.memory_space<vmem_shared>>
      tpu.enqueue_indirect_dma source(%arg5 : memref<128xi32, #tpu.memory_space<vmem>>) target(%dma_start3A_436 : memref<10240xi32, #tpu.memory_space<vmem_shared>>) offsets(%dma_start3A_434 : memref<128xi32, #tpu.memory_space<vmem>>) semaphore(%arg8 : memref<!tpu.dma_semaphore, #tpu.memory_space<semaphore_mem>>) {add = true}
      %mul3A_437 = arith.constant 10 : i32
      %mul3A_438 = arith.muli %while3A_320, %mul3A_437 : i32
      %add3A_439 = arith.constant 9 : i32
      %add3A_440 = arith.addi %mul3A_438, %add3A_439 : i32
      %mul3A_441 = arith.constant 2 : i32
      %mul3A_442 = arith.muli %mul3A_441, %add3A_440 : i32
      %add3A_443 = arith.constant 1 : i32
      %add3A_444 = arith.addi %mul3A_442, %add3A_443 : i32
      %dma_start3A_445 = arith.constant 0 : i32
      %dma_start3A_446 = tpu.memref_slice %arg4[%add3A_444, %dma_start3A_445] : memref<80x128xi32, #tpu.memory_space<vmem>> -> memref<1x128xi32, #tpu.memory_space<vmem>>
      %dma_start3A_447 = tpu.memref_squeeze %dma_start3A_446 : memref<1x128xi32, #tpu.memory_space<vmem>> -> memref<128xi32, #tpu.memory_space<vmem>>
      %dma_start3A_448 = arith.constant 0 : i32
      %dma_start3A_449 = tpu.memref_slice %arg7[%dma_start3A_448] : memref<10240xi32, #tpu.memory_space<vmem_shared>> -> memref<10240xi32, #tpu.memory_space<vmem_shared>>
      tpu.enqueue_indirect_dma source(%arg5 : memref<128xi32, #tpu.memory_space<vmem>>) target(%dma_start3A_449 : memref<10240xi32, #tpu.memory_space<vmem_shared>>) offsets(%dma_start3A_447 : memref<128xi32, #tpu.memory_space<vmem>>) semaphore(%arg8 : memref<!tpu.dma_semaphore, #tpu.memory_space<semaphore_mem>>) {add = true}
      %dma_wait3A = arith.constant 0 : i32
      %dma_wait3A_450 = tpu.memref_slice %arg4[%add3A_328, %dma_wait3A] : memref<80x128xi32, #tpu.memory_space<vmem>> -> memref<1x128xi32, #tpu.memory_space<vmem>>
      %dma_wait3A_451 = tpu.memref_squeeze %dma_wait3A_450 : memref<1x128xi32, #tpu.memory_space<vmem>> -> memref<128xi32, #tpu.memory_space<vmem>>
      %dma_wait3A_452 = arith.constant 0 : i32
      %dma_wait3A_453 = tpu.memref_slice %arg7[%dma_wait3A_452] : memref<10240xi32, #tpu.memory_space<vmem_shared>> -> memref<10240xi32, #tpu.memory_space<vmem_shared>>
      tpu.wait_indirect_dma semaphore(%arg8 : memref<!tpu.dma_semaphore, #tpu.memory_space<semaphore_mem>>) src(%arg5 : memref<128xi32, #tpu.memory_space<vmem>>) dst(%dma_wait3A_453 : memref<10240xi32, #tpu.memory_space<vmem_shared>>)
      %dma_wait3A_454 = arith.constant 0 : i32
      %dma_wait3A_455 = tpu.memref_slice %arg4[%add3A_340, %dma_wait3A_454] : memref<80x128xi32, #tpu.memory_space<vmem>> -> memref<1x128xi32, #tpu.memory_space<vmem>>
      %dma_wait3A_456 = tpu.memref_squeeze %dma_wait3A_455 : memref<1x128xi32, #tpu.memory_space<vmem>> -> memref<128xi32, #tpu.memory_space<vmem>>
      %dma_wait3A_457 = arith.constant 0 : i32
      %dma_wait3A_458 = tpu.memref_slice %arg7[%dma_wait3A_457] : memref<10240xi32, #tpu.memory_space<vmem_shared>> -> memref<10240xi32, #tpu.memory_space<vmem_shared>>
      tpu.wait_indirect_dma semaphore(%arg8 : memref<!tpu.dma_semaphore, #tpu.memory_space<semaphore_mem>>) src(%arg5 : memref<128xi32, #tpu.memory_space<vmem>>) dst(%dma_wait3A_458 : memref<10240xi32, #tpu.memory_space<vmem_shared>>)
      %dma_wait3A_459 = arith.constant 0 : i32
      %dma_wait3A_460 = tpu.memref_slice %arg4[%add3A_353, %dma_wait3A_459] : memref<80x128xi32, #tpu.memory_space<vmem>> -> memref<1x128xi32, #tpu.memory_space<vmem>>
      %dma_wait3A_461 = tpu.memref_squeeze %dma_wait3A_460 : memref<1x128xi32, #tpu.memory_space<vmem>> -> memref<128xi32, #tpu.memory_space<vmem>>
      %dma_wait3A_462 = arith.constant 0 : i32
      %dma_wait3A_463 = tpu.memref_slice %arg7[%dma_wait3A_462] : memref<10240xi32, #tpu.memory_space<vmem_shared>> -> memref<10240xi32, #tpu.memory_space<vmem_shared>>
      tpu.wait_indirect_dma semaphore(%arg8 : memref<!tpu.dma_semaphore, #tpu.memory_space<semaphore_mem>>) src(%arg5 : memref<128xi32, #tpu.memory_space<vmem>>) dst(%dma_wait3A_463 : memref<10240xi32, #tpu.memory_space<vmem_shared>>)
      %dma_wait3A_464 = arith.constant 0 : i32
      %dma_wait3A_465 = tpu.memref_slice %arg4[%add3A_366, %dma_wait3A_464] : memref<80x128xi32, #tpu.memory_space<vmem>> -> memref<1x128xi32, #tpu.memory_space<vmem>>
      %dma_wait3A_466 = tpu.memref_squeeze %dma_wait3A_465 : memref<1x128xi32, #tpu.memory_space<vmem>> -> memref<128xi32, #tpu.memory_space<vmem>>
      %dma_wait3A_467 = arith.constant 0 : i32
      %dma_wait3A_468 = tpu.memref_slice %arg7[%dma_wait3A_467] : memref<10240xi32, #tpu.memory_space<vmem_shared>> -> memref<10240xi32, #tpu.memory_space<vmem_shared>>
      tpu.wait_indirect_dma semaphore(%arg8 : memref<!tpu.dma_semaphore, #tpu.memory_space<semaphore_mem>>) src(%arg5 : memref<128xi32, #tpu.memory_space<vmem>>) dst(%dma_wait3A_468 : memref<10240xi32, #tpu.memory_space<vmem_shared>>)
      %dma_wait3A_469 = arith.constant 0 : i32
      %dma_wait3A_470 = tpu.memref_slice %arg4[%add3A_379, %dma_wait3A_469] : memref<80x128xi32, #tpu.memory_space<vmem>> -> memref<1x128xi32, #tpu.memory_space<vmem>>
      %dma_wait3A_471 = tpu.memref_squeeze %dma_wait3A_470 : memref<1x128xi32, #tpu.memory_space<vmem>> -> memref<128xi32, #tpu.memory_space<vmem>>
      %dma_wait3A_472 = arith.constant 0 : i32
      %dma_wait3A_473 = tpu.memref_slice %arg7[%dma_wait3A_472] : memref<10240xi32, #tpu.memory_space<vmem_shared>> -> memref<10240xi32, #tpu.memory_space<vmem_shared>>
      tpu.wait_indirect_dma semaphore(%arg8 : memref<!tpu.dma_semaphore, #tpu.memory_space<semaphore_mem>>) src(%arg5 : memref<128xi32, #tpu.memory_space<vmem>>) dst(%dma_wait3A_473 : memref<10240xi32, #tpu.memory_space<vmem_shared>>)
      %dma_wait3A_474 = arith.constant 0 : i32
      %dma_wait3A_475 = tpu.memref_slice %arg4[%add3A_392, %dma_wait3A_474] : memref<80x128xi32, #tpu.memory_space<vmem>> -> memref<1x128xi32, #tpu.memory_space<vmem>>
      %dma_wait3A_476 = tpu.memref_squeeze %dma_wait3A_475 : memref<1x128xi32, #tpu.memory_space<vmem>> -> memref<128xi32, #tpu.memory_space<vmem>>
      %dma_wait3A_477 = arith.constant 0 : i32
      %dma_wait3A_478 = tpu.memref_slice %arg7[%dma_wait3A_477] : memref<10240xi32, #tpu.memory_space<vmem_shared>> -> memref<10240xi32, #tpu.memory_space<vmem_shared>>
      tpu.wait_indirect_dma semaphore(%arg8 : memref<!tpu.dma_semaphore, #tpu.memory_space<semaphore_mem>>) src(%arg5 : memref<128xi32, #tpu.memory_space<vmem>>) dst(%dma_wait3A_478 : memref<10240xi32, #tpu.memory_space<vmem_shared>>)
      %dma_wait3A_479 = arith.constant 0 : i32
      %dma_wait3A_480 = tpu.memref_slice %arg4[%add3A_405, %dma_wait3A_479] : memref<80x128xi32, #tpu.memory_space<vmem>> -> memref<1x128xi32, #tpu.memory_space<vmem>>
      %dma_wait3A_481 = tpu.memref_squeeze %dma_wait3A_480 : memref<1x128xi32, #tpu.memory_space<vmem>> -> memref<128xi32, #tpu.memory_space<vmem>>
      %dma_wait3A_482 = arith.constant 0 : i32
      %dma_wait3A_483 = tpu.memref_slice %arg7[%dma_wait3A_482] : memref<10240xi32, #tpu.memory_space<vmem_shared>> -> memref<10240xi32, #tpu.memory_space<vmem_shared>>
      tpu.wait_indirect_dma semaphore(%arg8 : memref<!tpu.dma_semaphore, #tpu.memory_space<semaphore_mem>>) src(%arg5 : memref<128xi32, #tpu.memory_space<vmem>>) dst(%dma_wait3A_483 : memref<10240xi32, #tpu.memory_space<vmem_shared>>)
      %dma_wait3A_484 = arith.constant 0 : i32
      %dma_wait3A_485 = tpu.memref_slice %arg4[%add3A_418, %dma_wait3A_484] : memref<80x128xi32, #tpu.memory_space<vmem>> -> memref<1x128xi32, #tpu.memory_space<vmem>>
      %dma_wait3A_486 = tpu.memref_squeeze %dma_wait3A_485 : memref<1x128xi32, #tpu.memory_space<vmem>> -> memref<128xi32, #tpu.memory_space<vmem>>
      %dma_wait3A_487 = arith.constant 0 : i32
      %dma_wait3A_488 = tpu.memref_slice %arg7[%dma_wait3A_487] : memref<10240xi32, #tpu.memory_space<vmem_shared>> -> memref<10240xi32, #tpu.memory_space<vmem_shared>>
      tpu.wait_indirect_dma semaphore(%arg8 : memref<!tpu.dma_semaphore, #tpu.memory_space<semaphore_mem>>) src(%arg5 : memref<128xi32, #tpu.memory_space<vmem>>) dst(%dma_wait3A_488 : memref<10240xi32, #tpu.memory_space<vmem_shared>>)
      %dma_wait3A_489 = arith.constant 0 : i32
      %dma_wait3A_490 = tpu.memref_slice %arg4[%add3A_431, %dma_wait3A_489] : memref<80x128xi32, #tpu.memory_space<vmem>> -> memref<1x128xi32, #tpu.memory_space<vmem>>
      %dma_wait3A_491 = tpu.memref_squeeze %dma_wait3A_490 : memref<1x128xi32, #tpu.memory_space<vmem>> -> memref<128xi32, #tpu.memory_space<vmem>>
      %dma_wait3A_492 = arith.constant 0 : i32
      %dma_wait3A_493 = tpu.memref_slice %arg7[%dma_wait3A_492] : memref<10240xi32, #tpu.memory_space<vmem_shared>> -> memref<10240xi32, #tpu.memory_space<vmem_shared>>
      tpu.wait_indirect_dma semaphore(%arg8 : memref<!tpu.dma_semaphore, #tpu.memory_space<semaphore_mem>>) src(%arg5 : memref<128xi32, #tpu.memory_space<vmem>>) dst(%dma_wait3A_493 : memref<10240xi32, #tpu.memory_space<vmem_shared>>)
      %dma_wait3A_494 = arith.constant 0 : i32
      %dma_wait3A_495 = tpu.memref_slice %arg4[%add3A_444, %dma_wait3A_494] : memref<80x128xi32, #tpu.memory_space<vmem>> -> memref<1x128xi32, #tpu.memory_space<vmem>>
      %dma_wait3A_496 = tpu.memref_squeeze %dma_wait3A_495 : memref<1x128xi32, #tpu.memory_space<vmem>> -> memref<128xi32, #tpu.memory_space<vmem>>
      %dma_wait3A_497 = arith.constant 0 : i32
      %dma_wait3A_498 = tpu.memref_slice %arg7[%dma_wait3A_497] : memref<10240xi32, #tpu.memory_space<vmem_shared>> -> memref<10240xi32, #tpu.memory_space<vmem_shared>>
      tpu.wait_indirect_dma semaphore(%arg8 : memref<!tpu.dma_semaphore, #tpu.memory_space<semaphore_mem>>) src(%arg5 : memref<128xi32, #tpu.memory_space<vmem>>) dst(%dma_wait3A_498 : memref<10240xi32, #tpu.memory_space<vmem_shared>>)
    }
    %barrier3A_315 = arith.constant 0 : index
    tpu.barrier barrier_id(%barrier3A_315)
    %mul3A_316 = arith.constant 640 : i32
    %mul3A_317 = arith.muli %arg1, %mul3A_316 : i32
    %mul3A_318 = arith.constant 640 : i32
    %mul3A_319 = arith.muli %arg1, %mul3A_318 : i32
    "tpu.region"() ({
      %run_scoped3A = tpu.sem_alloc : memref<!tpu.dma_semaphore, #tpu.memory_space<semaphore_mem>>
      %dma_start3A = tpu.memref_slice %arg3[%arg0, %mul3A_319] : memref<2x10240xi32, #tpu.memory_space<hbm>> -> memref<1x640xi32, #tpu.memory_space<hbm>>
      %dma_start3A_320 = tpu.memref_squeeze %dma_start3A : memref<1x640xi32, #tpu.memory_space<hbm>> -> memref<640xi32, #tpu.memory_space<hbm>>
      %dma_start3A_321 = tpu.memref_slice %arg7[%mul3A_317] : memref<10240xi32, #tpu.memory_space<vmem_shared>> -> memref<640xi32, #tpu.memory_space<vmem_shared>>
      tpu.enqueue_dma source(%dma_start3A_321 : memref<640xi32, #tpu.memory_space<vmem_shared>>) target(%dma_start3A_320 : memref<640xi32, #tpu.memory_space<hbm>>) target_semaphore(%run_scoped3A : memref<!tpu.dma_semaphore, #tpu.memory_space<semaphore_mem>>)
      %dma_wait3A = tpu.memref_slice %arg3[%arg0, %mul3A_319] : memref<2x10240xi32, #tpu.memory_space<hbm>> -> memref<1x640xi32, #tpu.memory_space<hbm>>
      %dma_wait3A_322 = tpu.memref_squeeze %dma_wait3A : memref<1x640xi32, #tpu.memory_space<hbm>> -> memref<640xi32, #tpu.memory_space<hbm>>
      %dma_wait3A_323 = tpu.memref_slice %arg7[%mul3A_317] : memref<10240xi32, #tpu.memory_space<vmem_shared>> -> memref<640xi32, #tpu.memory_space<vmem_shared>>
      tpu.wait_dma2 semaphore(%run_scoped3A : memref<!tpu.dma_semaphore, #tpu.memory_space<semaphore_mem>>) src(%dma_wait3A_323 : memref<640xi32, #tpu.memory_space<vmem_shared>>) dst(%dma_wait3A_322 : memref<640xi32, #tpu.memory_space<hbm>>)
      tpu.yield
    }) : () -> ()
    return
  }
}

module attributes {stable_mosaic.version = 14 : i64} {
  func.func @_pow_body(%arg0: i32, %arg1: memref<2048x256xf32, #tpu.memory_space<vmem>>, %arg2: memref<2x2048xi32, #tpu.memory_space<vmem>>, %arg3: memref<2048x256xf32, #tpu.memory_space<vmem>>) attributes {dimension_semantics = [#tpu.dimension_semantics<arbitrary>], iteration_bounds = array<i64: 5>, scalar_prefetch = 0 : i64, scratch_operands = 0 : i64, tpu.core_type = #tpu.core_type<tc>, window_params = [{transform_indices = @transform_0, window_bounds = array<i64: 2048, 256>}, {transform_indices = @transform_1, window_bounds = array<i64: 2, 2048>}, {transform_indices = @transform_2, window_bounds = array<i64: 2048, 256>}]} {
    %get3A = arith.constant 0 : index
    %get3A_0 = arith.constant 0 : index
    %get3A_1 = vector.load %arg1[%get3A, %get3A_0] : memref<2048x256xf32, #tpu.memory_space<vmem>>, vector<2048x256xf32>
    %get3A_2 = arith.constant 0 : index
    %get3A_3 = arith.constant 0 : index
    %get3A_4 = vector.load %arg2[%get3A_2, %get3A_3] : memref<2x2048xi32, #tpu.memory_space<vmem>>, vector<2x2048xi32>
    %slice3A = vector.extract_strided_slice %get3A_4 {offsets = [0, 0], sizes = [1, 2048], strides = [1, 1]} : vector<2x2048xi32> to vector<1x2048xi32>
    %squeeze3A = vector.shape_cast %slice3A : vector<1x2048xi32> to vector<2048xi32>
    %slice3A_5 = vector.extract_strided_slice %get3A_4 {offsets = [1, 0], sizes = [1, 2048], strides = [1, 1]} : vector<2x2048xi32> to vector<1x2048xi32>
    %squeeze3A_6 = vector.shape_cast %slice3A_5 : vector<1x2048xi32> to vector<2048xi32>
    %add3A = arith.addi %squeeze3A, %squeeze3A_6 : vector<2048xi32>
    %reshape3A = vector.shape_cast %add3A : vector<2048xi32> to vector<1x2048xi32>
    %transpose3A = tpu.transpose %reshape3A, [1, 0] : vector<1x2048xi32> -> vector<2048x1xi32>
    %max3A = arith.constant 1 : i32
    %max3A_7 = vector.broadcast %max3A : i32 to vector<2048x1xi32>
    %max3A_8 = arith.maxsi %transpose3A, %max3A_7 : vector<2048x1xi32>
    %convert_element_type3A = arith.sitofp %max3A_8 : vector<2048x1xi32> to vector<2048x1xf32>
    %abs3A = math.absf %get3A_1 : vector<2048x256xf32>
    %log3A = math.log %abs3A : vector<2048x256xf32>
    %log3A_9 = arith.constant 2.000000e+00 : f32
    %log3A_10 = math.log %log3A_9 : f32
    %div3A = vector.broadcast %log3A_10 : f32 to vector<2048x256xf32>
    %div3A_11 = arith.divf %log3A, %div3A : vector<2048x256xf32>
    %mul3A = vector.broadcast %convert_element_type3A : vector<2048x1xf32> to vector<2048x256xf32>
    %mul3A_12 = arith.mulf %mul3A, %div3A_11 : vector<2048x256xf32>
    %exp23A = math.exp2 %mul3A_12 : vector<2048x256xf32>
    %lt3A = arith.constant 0.000000e+00 : f32
    %lt3A_13 = vector.broadcast %lt3A : f32 to vector<2048x256xf32>
    %lt3A_14 = arith.cmpf olt, %get3A_1, %lt3A_13 : vector<2048x256xf32>
    %and3A = arith.constant 1 : i32
    %and3A_15 = vector.broadcast %and3A : i32 to vector<2048x1xi32>
    %and3A_16 = arith.andi %max3A_8, %and3A_15 : vector<2048x1xi32>
    %eq3A = arith.constant 1 : i32
    %eq3A_17 = vector.broadcast %eq3A : i32 to vector<2048x1xi32>
    %eq3A_18 = arith.cmpi eq, %and3A_16, %eq3A_17 : vector<2048x1xi32>
    %and3A_19 = vector.broadcast %eq3A_18 : vector<2048x1xi1> to vector<2048x256xi1>
    %and3A_20 = arith.andi %lt3A_14, %and3A_19 : vector<2048x256xi1>
    %neg3A = arith.constant 0.000000e+00 : f32
    %neg3A_21 = vector.broadcast %neg3A : f32 to vector<2048x256xf32>
    %neg3A_22 = arith.subf %neg3A_21, %exp23A : vector<2048x256xf32>
    %select_n3A = arith.select %and3A_20, %neg3A_22, %exp23A : vector<2048x256xi1>, vector<2048x256xf32>
    %eq3A_23 = arith.constant 0 : i32
    %eq3A_24 = vector.broadcast %eq3A_23 : i32 to vector<2048x1xi32>
    %eq3A_25 = arith.cmpi eq, %transpose3A, %eq3A_24 : vector<2048x1xi32>
    %broadcast_in_dim3A = vector.shape_cast %eq3A_25 : vector<2048x1xi1> to vector<2048x1xi1>
    %broadcast_in_dim3A_26 = vector.broadcast %broadcast_in_dim3A : vector<2048x1xi1> to vector<2048x256xi1>
    %select_n3A_27 = arith.select %broadcast_in_dim3A_26, %get3A_1, %select_n3A : vector<2048x256xi1>, vector<2048x256xf32>
    %swap3A = arith.constant 0 : index
    %swap3A_28 = arith.constant 0 : index
    %swap3A_29 = vector.load %arg3[%swap3A, %swap3A_28] : memref<2048x256xf32, #tpu.memory_space<vmem>>, vector<2048x256xf32>
    tpu.vector_store %arg3[%swap3A, %swap3A_28], %select_n3A_27 {strides = array<i32>} : memref<2048x256xf32, #tpu.memory_space<vmem>>, vector<2048x256xf32>,
    return
  }
  func.func @transform_0(%arg0: i32) -> (i32, i32) {
    %c0_i32 = arith.constant 0 : i32
    %c0_i32_0 = arith.constant 0 : i32
    return %arg0, %c0_i32 : i32, i32
  }
  func.func @transform_1(%arg0: i32) -> (i32, i32) {
    %c0_i32 = arith.constant 0 : i32
    %c0_i32_0 = arith.constant 0 : i32
    return %c0_i32, %arg0 : i32, i32
  }
  func.func @transform_2(%arg0: i32) -> (i32, i32) {
    %c0_i32 = arith.constant 0 : i32
    %c0_i32_0 = arith.constant 0 : i32
    return %arg0, %c0_i32 : i32, i32
  }
}

</mosaic_0001>

<sc_bundles>
// kernel: kernel.4.cloned.1.call-start
scs
__scs_entry_jumppad:
0x0: {  	(pc) =	sbr.rel $0x88, $3  }
0x1: {  	(tag) =	ssettag $0x0;
	lr =	simm.s32 $0x1  }
0x2: {  	[smem:$0x3F9F] =	sst lr;
	_ =	strace $0xD0000000  }
0x3: {  	_ = 	snop  }
0x4: {  	_ = 	snop  }
0x5: {  	_ = 	snop  }
0x6: {  	_ = 	snop  }
0x7: {  	_ = 	snop  }
__scs_overlays_trampoline_lowered:
0x8: {  	[smem:$0x3FAE] =	sst s0  }
0x9: {  	[smem:$0x3FAF] =	sst s1  }
0xa: {  	[smem:$0x3FB0] =	sst s2  }
0xb: {  	[smem:$0x3FB1] =	sst s3  }
0xc: {  	[smem:$0x3FB2] =	sst s4  }
0xd: {  	[smem:$0x3FB3] =	sst s5  }
0xe: {  	[smem:$0x3FB4] =	sst s6  }
0xf: {  	[smem:$0x3FB5] =	sst s7  }
0x10: {  	[smem:$0x3FB6] =	sst s8  }
0x11: {  	[smem:$0x3FB7] =	sst s9;
	s0 =	simm.s32 @!p0 $0x0  }
0x12: {  	s1 =	sld [smem:$0x3F9D];
	s0 =	simm.s32 @p0 $0x1  }
0x13: {  	[smem:$0x3FB8] =	sst s0;
	s0 =	simm.s32 @!p1 $0x0  }
0x14: {  	s2 =	sld [smem:$0x3F9C];
	s0 =	simm.s32 @p1 $0x1  }
0x15: {  	[smem:$0x3FB9] =	sst s0;
	s0 =	simm.s32 @!p2 $0x0  }
0x16: {  	s3 =	sld [smem:$0x3FDB];
	s0 =	simm.s32 @p2 $0x1  }
0x17: {  	s4 =	simm.s32 $0x1BF5;
	[smem:$0x3FBB] =	sst s0  }
0x18: {  	s0 =	sld [smem:$0x3F9E];
	_ =	swait.ge [sflag:s4], $0x0  }
0x19: {  	s7 =	sld [smem:$0x3F9F]  }
0x1a: {  	s8 =	sadd.s32 $0xFFFFE003, lr  }
0x1b: {  	s9 =	sadd.s32 $0xFFFFFEF7, lr;
	s5 =	simm.s32 $0xFFFFFFFF;
	p2 =	slt.u32 s8, $0xFFFFF086  }
0x1c: {  	p1 =	slt.u32 s9, $0xF7A;
	s5 =	simm.s32 @!p2 $0x0  }
0x1d: {  	s5 =	simm.s32 @p1 $0x1;
	p0 =	seq.s32 s7, s2  }
0x1e: {  	s7 =	smul.u32 @!p0 $0xF7A, s2;
	p2 =	seq.s32 @!p0 s5, $0x0  }
0x1f: {  	s9 =	smul.u32 $0xF7A, s1;
	s8 =	simm.s32 @!p0 $0x1BF5;
	p2 =	por !p2, p0  }
0x20: {  	[sflag:s8] =	ssyncset.s32 @!p0 $0xFFFFF086;
	s6 =	sadd.s32 @!p0 s3, s7;
	s7 =	simm.s32 @!p0 $0x108  }
0x21: {  	s3 =	sadd.s32 s3, s9;
	s6 =	sadd.s32 @!p0 $0x88, s6;
	s7 =	simm.s32 @p2 $0x1082  }
0x22: {  	[simem:s7], [sflag:s8] =	dma.local @!p0 [hbm:s6], $0xF7A  }
0x23: {  	s9 =	sor.u32 $0xD0000000, s2;
	s6 =	simm.s32 $0x108;
	_ =	swait.ge @!p0 [sflag:s8], $0x0  }
0x24: {  	s3 =	sadd.s32 $0x88, s3;
	s6 =	simm.s32 @!p1 $0x1082;
	[sflag:s4] =	ssyncset.s32 $0xFFFFF086  }
0x25: {  	[simem:s6], [sflag:s4] =	dma.local [hbm:s3], $0xF7A  }
0x26: {  	[smem:$0x3F9F] =	sst s1;
	(tag) =	ssettag s2;
	_ =	strace s9  }
0x27: {  	s1 =	sld [smem:$0x3FAF]  }
0x28: {  	s2 =	sld [smem:$0x3FB0]  }
0x29: {  	s4 =	sld [smem:$0x3FB2]  }
0x2a: {  	p0 =	seq.s32 s5, $0x0;
	s5 =	sld [smem:$0x3FB3]  }
0x2b: {  	s6 =	sld [smem:$0x3FB4]  }
0x2c: {  	s7 =	sld [smem:$0x3FB5]  }
0x2d: {  	s3 =	simm.s32 $0x108;
	s8 =	sld [smem:$0x3FB6]  }
0x2e: {  	s3 =	simm.s32 @!p0 $0x1082;
	s9 =	sld [smem:$0x3FB7]  }
0x2f: {  	lr =	sadd.s32 s0, s3;
	s0 =	sld [smem:$0x3FAE]  }
0x30: {  	s3 =	sld [smem:$0x3FB1]  }
0x31: {  	[smem:$0x3FBA] =	sst s10  }
0x32: {  	s10 =	sld [smem:$0x3FB8];
	_ =	sdelay $0x3  }
0x33: {  	p0 =	seq.s32 s10, $0x1;
	s10 =	sld [smem:$0x3FBA];
	_ =	sdelay $0x3  }
0x34: {  	[smem:$0x3FBA] =	sst s10  }
0x35: {  	s10 =	sld [smem:$0x3FB9];
	_ =	sdelay $0x3  }
0x36: {  	p1 =	seq.s32 s10, $0x1;
	s10 =	sld [smem:$0x3FBA];
	_ =	sdelay $0x3  }
0x37: {  	[smem:$0x3FBA] =	sst s10  }
0x38: {  	s10 =	sld [smem:$0x3FBB]  }
0x39: {  	_ = 	snop;
	(pc) =	sbr.ind lr, $3  }
0x3a: {  	_ = 	snop  }
0x3b: {  	_ = 	snop  }
0x3c: {  	p2 =	seq.s32 s10, $0x1;
	s10 =	sld [smem:$0x3FBA]  }
0x3d: {  	_ =	shalt  }
0x3e: {  	_ =	shalt  }
0x3f: {  	_ =	shalt  }
0x40: {  	_ =	shalt  }
0x41: {  	_ =	shalt  }
0x42: {  	_ =	shalt  }
0x43: {  	_ =	shalt  }
0x44: {  	_ =	shalt  }
0x45: {  	_ =	shalt  }
0x46: {  	_ =	shalt  }
0x47: {  	_ =	shalt  }
0x48: {  	_ =	shalt  }
0x49: {  	_ =	shalt  }
0x4a: {  	_ =	shalt  }
0x4b: {  	_ =	shalt  }
0x4c: {  	_ =	shalt  }
0x4d: {  	_ =	shalt  }
0x4e: {  	_ =	shalt  }
0x4f: {  	_ =	shalt  }
0x50: {  	_ =	shalt  }
0x51: {  	_ =	shalt  }
0x52: {  	_ =	shalt  }
0x53: {  	_ =	shalt  }
0x54: {  	_ =	shalt  }
0x55: {  	_ =	shalt  }
0x56: {  	_ =	shalt  }
0x57: {  	_ =	shalt  }
0x58: {  	_ =	shalt  }
0x59: {  	_ =	shalt  }
0x5a: {  	_ =	shalt  }
0x5b: {  	_ =	shalt  }
0x5c: {  	_ =	shalt  }
0x5d: {  	_ =	shalt  }
0x5e: {  	_ =	shalt  }
0x5f: {  	_ =	shalt  }
0x60: {  	_ =	shalt  }
0x61: {  	_ =	shalt  }
0x62: {  	_ =	shalt  }
0x63: {  	_ =	shalt  }
0x64: {  	_ =	shalt  }
0x65: {  	_ =	shalt  }
0x66: {  	_ =	shalt  }
0x67: {  	_ =	shalt  }
0x68: {  	_ =	shalt  }
0x69: {  	_ =	shalt  }
0x6a: {  	_ =	shalt  }
0x6b: {  	_ =	shalt  }
0x6c: {  	_ =	shalt  }
0x6d: {  	_ =	shalt  }
0x6e: {  	_ =	shalt  }
0x6f: {  	_ =	shalt  }
0x70: {  	_ =	shalt  }
0x71: {  	_ =	shalt  }
0x72: {  	_ =	shalt  }
0x73: {  	_ =	shalt  }
0x74: {  	_ =	shalt  }
0x75: {  	_ =	shalt  }
0x76: {  	_ =	shalt  }
0x77: {  	_ =	shalt  }
0x78: {  	_ =	shalt  }
0x79: {  	_ =	shalt  }
0x7a: {  	_ =	shalt  }
0x7b: {  	_ =	shalt  }
0x7c: {  	_ =	shalt  }
0x7d: {  	_ =	shalt  }
0x7e: {  	_ =	shalt  }
0x7f: {  	_ =	shalt  }
0x80: {  	_ =	shalt  }
0x81: {  	_ =	shalt  }
0x82: {  	_ =	shalt  }
0x83: {  	_ =	shalt  }
0x84: {  	_ =	shalt  }
0x85: {  	_ =	shalt  }
0x86: {  	_ =	shalt  }
0x87: {  	_ =	shalt  }
.Lfunc_end0:
.L_simem_size_0:
called_computation_lowered:
.L_overlay_start_0:
0x88: {  	s2 =	sld [smem:$0x3FD9]  }
0x89: {  	s3 =	sld [smem:$0x3FFE];
	_ =	sdelay $0x1  }
0x8a: {  	s1 =	srdreg.scid  }
0x8b: {  	s0 =	sand.u32 $0x1, s1  }
0x8c: {  	s18 =	sshll.u32 s0, $0xA;
	s2 =	sadd.s32 s3, s2  }
0x8d: {  	s2 =	sadd.s32 s2, s18  }
0x8e: {  	[smem:$0x3FC6] =	sst s2  }
0x8f: {  	_ = 	snop  }
0x90: {  	s2 =	sld [smem:$0x3FC8]  }
0x91: {  	s19 =	sld [smem:$0x3FD0];
	(tm) =	ssettm $0x1  }
0x92: {  	s4 =	sld [smem:$0x3FFB];
	_ =	sdelay $0x3  }
0x93: {  	_ =	strace s4  }
0x94: {  	s4 =	sld [smem:$0x3FFC];
	_ =	sdelay $0x3  }
0x95: {  	_ =	strace s4  }
0x96: {  	s4 =	sld [smem:$0x3FFD];
	_ =	sdelay $0x3  }
0x97: {  	_ =	strace s4  }
0x98: {  	_ =	strace $0x8FFFFFFF  }
0x99: {  	s20 =	sld [smem:$0x3FDB];
	_ =	sdelay $0x1  }
0x9a: {  	s5 =	simm.s32 $_scs_section_size  }
0x9b: {  	s6 =	simm.s32 $_size__tile_overlayer_lowered;
	s7 =	simm.s32 $_tile_overlayer_lowered  }
0x9c: {  	s23 =	simm.s32 $0x1BFF;
	s22 =	sshll.u32 s7, $0x1;
	s4 =	sadd.s32 s5, s20  }
0x9d: {  	s8 =	simm.s32 $0x0;
	s21 =	sshll.u32 s6, $0x1;
	s6 =	sadd.s32 s22, s4  }
0x9e: {  	[timem:s8], [sflag:s23] =	dma.local [hbm:s6], s21  }
0x9f: {  	_ =	swait.ge [sflag:s23], s21  }
0xa0: {  	s5 =	ssub.s32 $0x0, s21;
	[sflag:s23] =	ssyncset.done $0x0  }
0xa1: {  	[sflag:s23] =	ssyncadd.s32 s5;
	_ =	sdelay $0x1  }
0xa2: {  	s24 =	simm.s32 $0x1B8B  }
0xa3: {  	_ =	swait.ge [sflag:s24], $0x1  }
0xa4: {  	[sflag:s24] =	ssyncset.done $0x0  }
0xa5: {  	s25 =	simm.s32 $0x1B8E;
	[sflag:s24] =	ssyncadd.s32 $0xFFFFFFFF  }
0xa6: {  	s26 =	simm.s32 $execute0_lowered;
	[smem:$0x3FD2] =	sst s25  }
0xa7: {  	s5 =	sshll.u32 s26, $0x1;
	_ =	strace $0x80000046;
	[dreg:$0x1] =	wrdreg $0xFFFFFFFF  }
0xa8: {  	s28 =	simm.s32 $_size_execute0_lowered;
	s4 =	sadd.s32 s4, s5;
	[dreg:$0x0] =	wrdreg $0x0  }
0xa9: {  	s5 =	sshll.u32 s28, $0x1;
	[dreg:$0x2] =	wrdreg s4  }
0xaa: {  	[dreg:$0x3] =	wrdreg s5  }
0xab: {  	[dreg:$0x4] =	wrdreg $0xC0  }
0xac: {  	_ =	task [dreg:s8], $0x5FFFF  }
0xad: {  	[dreg:$0x1] =	wrdreg $0xFFFFFFFF  }
0xae: {  	[dreg:$0x0] =	wrdreg $0x60  }
0xaf: {  	[dreg:$0x2] =	wrdreg s2  }
0xb0: {  	[dreg:$0x3] =	wrdreg s19  }
0xb1: {  	[dreg:$0x4] =	wrdreg $0x2B000  }
0xb2: {  	[dreg:$0x5] =	wrdreg $0x9  }
0xb3: {  	_ =	task.clear_ibuf [dreg:s8], $0x6FFFF;
	_ =	strace $0x90000046  }
0xb4: {  	s29 =	simm.s32 $0x9;
	_ =	strace $0x80000048  }
0xb5: {  	_ =	swait.ge [sflag:s29], $0x1  }
0xb6: {  	[sflag:s29] =	ssyncadd.s32 $0xFFFFFFFF  }
0xb7: {  	_ =	strace $0x90000048  }
0xb8: {  	_ =	sfence  }
0xb9: {  	s30 =	sld [smem:$0x0];
	_ =	sdelay $0x2  }
0xba: {  	s31 =	sshll.u32 s1, $0xD;
	s1 =	sshrl.u32 s1, $0x2  }
0xbb: {  	s3 =	sand.u32 $0x4000, s31;
	s1 =	sadd.s32 s1, s30  }
0xbc: {  	s0 =	sor.u32 s3, s0;
	s1 =	sshll.u32 s1, $0x11  }
0xbd: {  	s0 =	sor.u32 s1, s0  }
0xbe: {  	s0 =	sadd.s32 $0x8F2B, s0  }
0xbf: {  	[sflag:s0] =	ssyncadd.remote.s32 $0x1  }
0xc0: {  	_ =	sfence.sel $0xFFFF  }
0xc1: {  	[dreg:$0x0] =	wrdreg $0xFFFFFFFF;
	(pc) =	sbr.abs _section_cstart, $3  }
0xc2: {  	[dreg:$0x1] =	wrdreg $0xFFFFFFFF  }
0xc3: {  	_ =	task.clear_ibuf [dreg:s8], $0x2FFFF;
	_ =	strace $0x9FFFFFFF  }
0xc4: {  	(tm) =	ssettm $0x7FFFFFFF  }
0xc5: {  	_ =	shalt  }
tec
execute0_lowered:
.L_overlay_start_1:
0x0: {  	(tag) =	ssettag $0x1  }
0x1: {  	s1 =	rddreg [dreg:$0x0]  }
0x2: {  	s8 =	rddreg [dreg:$0x1]  }
0x3: {  	s2 =	rddreg [dreg:$0x2];
	s3 =	srdreg.scid;
	s4 =	simm.s32 $0x0  }
0x4: {  	s15 =	simm.s32 $0x2800;
	s9 =	sand.u32 $0x1, s3;
	s3 =	stileid.u32  }
0x5: {  	s16 =	simm.s32 $0x20;
	s17 =	simm.s32 $0x10;
	s10 =	smul.u32 $0xA00, s3  }
0x6: {  	s18 =	simm.s32 $0x0;
	[smem:$0x7FF] =	sst s4;
	s7 =	smul.u32 $0x500, s3  }
0x7: {  	s5 =	ssub.s32 $0x2, s9;
	_ =	strace $0x80000047;
	s13 =	smul.u32 $0x5000, s3  }
0x8: {  	s25 =	sshll.u32 s3, $0x1;
	s12 =	sshll.u32 s9, $0x7;
	s14 =	smul.u32 $0x2800, s9  }
0x9: {  	s29 =	smul.u32 $0x500, s9;
	s6 =	sshrl.u32 s5, $0x1;
	s26 =	sor.u32 s9, s25  }
0xa: {  	s11 =	ssub.s32 s5, s6;
	s28 =	sshrl.u32 s10, $0x2;
	p0 =	seq.s32 s26, $0x1F  }
0xb: {  	s6 =	simm.s32 $0x1;
	s12 =	sor.u32 s12, s7;
	s7 =	simm.s32 $0x1  }
0xc: {  	s30 =	sadd.s32 s14, s13;
	s31 =	sadd.s32 s10, s1;
	s13 =	simm.s32 $0x2  }
0xd: {  	s14 =	simm.s32 $0x80;
	s5 =	sadd.s32 s28, s2;
	s12 =	sshrl.u32 s12, $0x3  }
0xe: {  	s7 =	simm.s32 @!p0 $0x4;
	s9 =	smax.u32 s11, $0x1;
	s10 =	sadd.s32 $0x900, s30  }
0xf: {  	v0 =	vimm.s32 $0x1;
	v1 =	vimm.s32 $0x0;
	s11 =	sadd.s32 s29, s31;
	s8 =	sadd.s32 s8, s12;
	s12 =	simm.s32 $0x2880  }
.LBB2_1:
0x10: {  	[tilespmem:$0x2800] =	vst v0  }
0x11: {  	[tilespmem:$0x2810] =	vst v0  }
0x12: {  	[tilespmem:$0x2820] =	vst v0  }
0x13: {  	[tilespmem:$0x2830] =	vst v0  }
0x14: {  	[tilespmem:$0x2840] =	vst v0  }
0x15: {  	[tilespmem:$0x2850] =	vst v0  }
0x16: {  	[tilespmem:$0x2860] =	vst v0  }
0x17: {  	[tilespmem:$0x2870] =	vst v0  }
0x18: {  	[tilespmem:$0x2880] =	vst v1  }
0x19: {  	[tilespmem:$0x2890] =	vst v1  }
0x1a: {  	[tilespmem:$0x28A0] =	vst v1  }
0x1b: {  	[tilespmem:$0x28B0] =	vst v1  }
0x1c: {  	[tilespmem:$0x28C0] =	vst v1  }
0x1d: {  	[tilespmem:$0x28D0] =	vst v1  }
0x1e: {  	[tilespmem:$0x28E0] =	vst v1  }
0x1f: {  	[tilespmem:$0x28F0] =	vst v1  }
0x20: {  	[tilespmem:$0x2900] =	vst v1  }
0x21: {  	[tilespmem:$0x2910] =	vst v1  }
0x22: {  	[tilespmem:$0x2920] =	vst v1  }
0x23: {  	[tilespmem:$0x2930] =	vst v1  }
0x24: {  	[tilespmem:$0x2940] =	vst v1  }
0x25: {  	[tilespmem:$0x2950] =	vst v1  }
0x26: {  	[tilespmem:$0x2960] =	vst v1  }
0x27: {  	[tilespmem:$0x2970] =	vst v1  }
0x28: {  	[tilespmem:$0x2980] =	vst v1  }
0x29: {  	[tilespmem:$0x2990] =	vst v1  }
0x2a: {  	[tilespmem:$0x29A0] =	vst v1  }
0x2b: {  	[tilespmem:$0x29B0] =	vst v1  }
0x2c: {  	[tilespmem:$0x29C0] =	vst v1  }
0x2d: {  	[tilespmem:$0x29D0] =	vst v1  }
0x2e: {  	[tilespmem:$0x29E0] =	vst v1  }
0x2f: {  	[tilespmem:$0x29F0] =	vst v1  }
0x30: {  	[tilespmem:$0x2A00] =	vst v1  }
0x31: {  	[tilespmem:$0x2A10] =	vst v1  }
0x32: {  	[tilespmem:$0x2A20] =	vst v1  }
0x33: {  	[tilespmem:$0x2A30] =	vst v1  }
0x34: {  	[tilespmem:$0x2A40] =	vst v1  }
0x35: {  	[tilespmem:$0x2A50] =	vst v1  }
0x36: {  	[tilespmem:$0x2A60] =	vst v1  }
0x37: {  	[tilespmem:$0x2A70] =	vst v1  }
0x38: {  	[tilespmem:$0x2A80] =	vst v1  }
0x39: {  	[tilespmem:$0x2A90] =	vst v1  }
0x3a: {  	[tilespmem:$0x2AA0] =	vst v1  }
0x3b: {  	[tilespmem:$0x2AB0] =	vst v1  }
0x3c: {  	[tilespmem:$0x2AC0] =	vst v1  }
0x3d: {  	[tilespmem:$0x2AD0] =	vst v1  }
0x3e: {  	[tilespmem:$0x2AE0] =	vst v1  }
0x3f: {  	[tilespmem:$0x2AF0] =	vst v1;
	s19 =	sadd.s32 $0xFFFFFC00, s10;
	s20 =	sadd.s32 $0xFFFFFD00, s10  }
0x40: {  	[spmem:s5] =	stream.linear.scatter [tilespmem:s12], [sflag:$0x2], $0x280, $0x38;
	[tilespmem:$0x2D80] =	vst v63  }
0x41: {  	s21 =	simm.s32 $0x0;
	s22 =	sadd.s32 $0xFFFFFB00, s10;
	_ =	swait.ge [sflag:s13], $0x280  }
0x42: {  	s23 =	simm.s32 $0x200;
	s24 =	sadd.s32 $0xFFFFFA00, s10;
	[sflag:s13] =	ssyncset.done $0x0  }
0x43: {  	s25 =	sadd.s32 $0x20, s11;
	s26 =	sadd.s32 $0xFFFFF900, s10;
	[sflag:s13] =	ssyncadd.s32 $0xFFFFFD80  }
0x44: {  	[tilespmem:s21], [sflag:$0x1] =	stream.linear.gather [hbm4b:s11+s4], $0x100, $0x38;
	[tilespmem:$0x2D80] =	vst v63  }
0x45: {  	s31 =	simm.s32 $0x100;
	s29 =	simm.s32 $0x600;
	s26 =	sshrl.u32 s26, $0x3  }
0x46: {  	[tilespmem:s31], [sflag:$0x1] =	stream.linear.gather [hbm4b:s25+s4], $0x100, $0x38;
	[tilespmem:$0x2D80] =	vst v63  }
0x47: {  	s30 =	simm.s32 $0x400;
	s24 =	sshrl.u32 s24, $0x3;
	s25 =	sadd.s32 s1, s26  }
0x48: {  	[tilespmem:s23], [sflag:$0x1] =	stream.linear.gather [hbm4b:s25+s4], $0x100, $0x38;
	[tilespmem:$0x2D80] =	vst v63  }
0x49: {  	s0 =	sshrl.u32 s22, $0x3;
	s28 =	sadd.s32 s1, s24;
	s26 =	simm.s32 $0x300  }
0x4a: {  	[tilespmem:s26], [sflag:$0x1] =	stream.linear.gather [hbm4b:s28+s4], $0x100, $0x38;
	[tilespmem:$0x2D80] =	vst v63  }
0x4b: {  	s19 =	sshrl.u32 s19, $0x3;
	s20 =	sshrl.u32 s20, $0x3;
	s21 =	sadd.s32 s1, s0  }
0x4c: {  	[tilespmem:s30], [sflag:$0x1] =	stream.linear.gather [hbm4b:s21+s4], $0x100, $0x38;
	[tilespmem:$0x2D80] =	vst v63  }
0x4d: {  	s19 =	sadd.s32 s1, s19;
	s0 =	simm.s32 $0x500;
	s31 =	sadd.s32 $0xFFFFFE00, s10  }
0x4e: {  	[tilespmem:s0], [sflag:$0x1] =	stream.linear.gather [hbm4b:s19+s4], $0x100, $0x38;
	[tilespmem:$0x2D80] =	vst v63  }
0x4f: {  	s20 =	sadd.s32 s1, s20;
	s24 =	sadd.s32 $0xFFFFFF00, s10;
	s23 =	sshrl.u32 s31, $0x3  }
0x50: {  	[tilespmem:s29], [sflag:$0x1] =	stream.linear.gather [hbm4b:s20+s4], $0x100, $0x38;
	[tilespmem:$0x2D80] =	vst v63  }
0x51: {  	s25 =	simm.s32 $0x700;
	s21 =	sshrl.u32 s24, $0x3;
	s20 =	sadd.s32 s1, s23  }
0x52: {  	[tilespmem:s25], [sflag:$0x1] =	stream.linear.gather [hbm4b:s20+s4], $0x100, $0x38;
	[tilespmem:$0x2D80] =	vst v63  }
0x53: {  	s26 =	simm.s32 $0x800;
	s28 =	sadd.s32 s1, s21;
	s29 =	sshrl.u32 s10, $0x3  }
0x54: {  	[tilespmem:s26], [sflag:$0x1] =	stream.linear.gather [hbm4b:s28+s4], $0x100, $0x38;
	[tilespmem:$0x2D80] =	vst v63  }
0x55: {  	s30 =	simm.s32 $0x900;
	s31 =	sadd.s32 s1, s29  }
0x56: {  	[tilespmem:s30], [sflag:$0x1] =	stream.linear.gather [hbm4b:s31+s4], $0x100, $0x38;
	[tilespmem:$0x2D80] =	vst v63  }
0x57: {  	_ =	swait.ge [sflag:s6], $0x100  }
0x58: {  	[sflag:s6] =	ssyncset.done $0x0  }
0x59: {  	[sflag:s6] =	ssyncadd.s32 $0xFFFFFF00  }
0x5a: {  	_ =	swait.ge [sflag:s6], $0x100  }
0x5b: {  	[sflag:s6] =	ssyncset.done $0x0  }
0x5c: {  	[sflag:s6] =	ssyncadd.s32 $0xFFFFFF00  }
0x5d: {  	_ =	swait.ge [sflag:s6], $0x100  }
0x5e: {  	[sflag:s6] =	ssyncset.done $0x0  }
0x5f: {  	[sflag:s6] =	ssyncadd.s32 $0xFFFFFF00  }
0x60: {  	_ =	swait.ge [sflag:s6], $0x100  }
0x61: {  	[sflag:s6] =	ssyncset.done $0x0  }
0x62: {  	[sflag:s6] =	ssyncadd.s32 $0xFFFFFF00  }
0x63: {  	_ =	swait.ge [sflag:s6], $0x100  }
0x64: {  	[sflag:s6] =	ssyncset.done $0x0  }
0x65: {  	[sflag:s6] =	ssyncadd.s32 $0xFFFFFF00  }
0x66: {  	_ =	swait.ge [sflag:s6], $0x100  }
0x67: {  	p0 =	sne.s32 s7, $0x1;
	[sflag:s6] =	ssyncset.done $0x0  }
.Ltmp0:
0x68: {  	[sflag:s6] =	ssyncadd.s32 $0xFFFFFF00;
	(pc) =	sbr.rel @!p0 .LBB2_3-.Ltmp0, $4  }
0x69: {  	_ =	swait.ge [sflag:s6], $0x100  }
0x6a: {  	[sflag:s6] =	ssyncset.done $0x0  }
0x6b: {  	s22 =	sadd.s32 $0xA00, s10;
	s21 =	simm.s32 $0x1300;
	[sflag:s6] =	ssyncadd.s32 $0xFFFFFF00  }
0x6c: {  	s19 =	sadd.s32 $0xFFFFFFFF, s7;
	s20 =	sadd.s32 $0x140, s11;
	_ =	swait.ge [sflag:s6], $0x100  }
.LBB2_2:
0x6d: {  	s23 =	sadd.s32 $0xFFFFFC00, s22;
	s24 =	sadd.s32 $0xFFFFFD00, s22;
	[sflag:s6] =	ssyncset.done $0x0  }
0x6e: {  	s25 =	sadd.s32 $0xFFFFF700, s21;
	s26 =	sadd.s32 $0xFFFFFB00, s22;
	[sflag:s6] =	ssyncadd.s32 $0xFFFFFF00  }
0x6f: {  	s28 =	sadd.s32 $0xFFFFF900, s21;
	s29 =	sadd.s32 $0xFFFFFA00, s22;
	_ =	swait.ge [sflag:s6], $0x100  }
0x70: {  	s30 =	sadd.s32 $0x20, s20;
	s31 =	sadd.s32 $0xFFFFF900, s22;
	[sflag:s6] =	ssyncset.done $0x0  }
0x71: {  	s0 =	sadd.s32 $0xFFFFF800, s21;
	s31 =	sshrl.u32 s31, $0x3;
	[sflag:s6] =	ssyncadd.s32 $0xFFFFFF00  }
0x72: {  	s29 =	sshrl.u32 s29, $0x3;
	s26 =	sshrl.u32 s26, $0x3;
	_ =	swait.ge [sflag:s6], $0x100  }
0x73: {  	s23 =	sshrl.u32 s23, $0x3;
	s24 =	sshrl.u32 s24, $0x3;
	[sflag:s6] =	ssyncset.done $0x0  }
0x74: {  	p1 =	sne.s32 s19, $0x1;
	s19 =	sadd.s32 $0xFFFFFFFF, s19;
	[sflag:s6] =	ssyncadd.s32 $0xFFFFFF00  }
0x75: {  	_ = 	snop  }
0x76: {  	[tilespmem:s25], [sflag:$0x1] =	stream.linear.gather [hbm4b:s20+s4], $0x100, $0x38;
	[tilespmem:$0x2D80] =	vst v63  }
0x77: {  	_ = 	snop  }
0x78: {  	[tilespmem:s0], [sflag:$0x1] =	stream.linear.gather [hbm4b:s30+s4], $0x100, $0x38;
	[tilespmem:$0x2D80] =	vst v63  }
0x79: {  	s25 =	sadd.s32 $0xFFFFFD00, s21;
	s0 =	sadd.s32 s1, s31  }
0x7a: {  	[tilespmem:s28], [sflag:$0x1] =	stream.linear.gather [hbm4b:s0+s4], $0x100, $0x38;
	[tilespmem:$0x2D80] =	vst v63  }
0x7b: {  	s24 =	sadd.s32 s1, s24;
	s0 =	sadd.s32 $0xFFFFFA00, s21;
	s28 =	sadd.s32 s1, s29  }
0x7c: {  	[tilespmem:s0], [sflag:$0x1] =	stream.linear.gather [hbm4b:s28+s4], $0x100, $0x38;
	[tilespmem:$0x2D80] =	vst v63  }
0x7d: {  	s26 =	sadd.s32 s1, s26;
	s0 =	sadd.s32 $0xFFFFFB00, s21;
	s28 =	sadd.s32 $0xFFFFFE00, s22  }
0x7e: {  	[tilespmem:s0], [sflag:$0x1] =	stream.linear.gather [hbm4b:s26+s4], $0x100, $0x38;
	[tilespmem:$0x2D80] =	vst v63  }
0x7f: {  	s23 =	sadd.s32 s1, s23;
	s0 =	sadd.s32 $0xFFFFFC00, s21;
	s26 =	sshrl.u32 s28, $0x3  }
0x80: {  	[tilespmem:s0], [sflag:$0x1] =	stream.linear.gather [hbm4b:s23+s4], $0x100, $0x38;
	[tilespmem:$0x2D80] =	vst v63  }
0x81: {  	s0 =	sadd.s32 $0xFFFFFE00, s21;
	s23 =	sadd.s32 s1, s26;
	s26 =	sadd.s32 $0xFFFFFF00, s22  }
0x82: {  	[tilespmem:s25], [sflag:$0x1] =	stream.linear.gather [hbm4b:s24+s4], $0x100, $0x38;
	[tilespmem:$0x2D80] =	vst v63  }
0x83: {  	s24 =	sshrl.u32 s26, $0x3  }
0x84: {  	[tilespmem:s0], [sflag:$0x1] =	stream.linear.gather [hbm4b:s23+s4], $0x100, $0x38;
	[tilespmem:$0x2D80] =	vst v63  }
0x85: {  	s0 =	sadd.s32 $0xFFFFFF00, s21;
	s23 =	sadd.s32 s1, s24;
	s24 =	sshrl.u32 s22, $0x3  }
0x86: {  	[tilespmem:s0], [sflag:$0x1] =	stream.linear.gather [hbm4b:s23+s4], $0x100, $0x38;
	[tilespmem:$0x2D80] =	vst v63  }
0x87: {  	s0 =	sadd.s32 s1, s24  }
0x88: {  	[tilespmem:s21], [sflag:$0x1] =	stream.linear.gather [hbm4b:s0+s4], $0x100, $0x38;
	[tilespmem:$0x2D80] =	vst v63  }
0x89: {  	_ =	swait.ge [sflag:s6], $0x100  }
0x8a: {  	[sflag:s6] =	ssyncset.done $0x0  }
0x8b: {  	[sflag:s6] =	ssyncadd.s32 $0xFFFFFF00  }
0x8c: {  	_ =	swait.ge [sflag:s6], $0x100  }
0x8d: {  	[sflag:s6] =	ssyncset.done $0x0  }
0x8e: {  	[sflag:s6] =	ssyncadd.s32 $0xFFFFFF00  }
0x8f: {  	_ =	swait.ge [sflag:s6], $0x100  }
0x90: {  	[sflag:s6] =	ssyncset.done $0x0  }
0x91: {  	[sflag:s6] =	ssyncadd.s32 $0xFFFFFF00  }
0x92: {  	_ =	swait.ge [sflag:s6], $0x100  }
0x93: {  	[sflag:s6] =	ssyncset.done $0x0  }
0x94: {  	[sflag:s6] =	ssyncadd.s32 $0xFFFFFF00  }
0x95: {  	_ =	swait.ge [sflag:s6], $0x100  }
0x96: {  	[sflag:s6] =	ssyncset.done $0x0  }
0x97: {  	[sflag:s6] =	ssyncadd.s32 $0xFFFFFF00  }
0x98: {  	_ =	swait.ge [sflag:s6], $0x100  }
0x99: {  	[sflag:s6] =	ssyncset.done $0x0  }
.Ltmp1:
0x9a: {  	[sflag:s6] =	ssyncadd.s32 $0xFFFFFF00;
	(pc) =	sbr.rel @p1 .LBB2_2-.Ltmp1, $4  }
0x9b: {  	_ =	swait.ge [sflag:s6], $0x100  }
0x9c: {  	[sflag:s6] =	ssyncset.done $0x0  }
0x9d: {  	s20 =	sadd.s32 $0x140, s20;
	[sflag:s6] =	ssyncadd.s32 $0xFFFFFF00  }
0x9e: {  	s22 =	sadd.s32 $0xA00, s22;
	s21 =	sadd.s32 $0xA00, s21;
	_ =	swait.ge [sflag:s6], $0x100  }
.LBB2_3:
0x9f: {  	[sflag:s6] =	ssyncset.done $0x0  }
0xa0: {  	[sflag:s6] =	ssyncadd.s32 $0xFFFFFF00  }
0xa1: {  	_ =	swait.ge [sflag:s6], $0x100  }
0xa2: {  	[sflag:s6] =	ssyncset.done $0x0  }
0xa3: {  	[sflag:s6] =	ssyncadd.s32 $0xFFFFFF00  }
.Ltmp2:
0xa4: {  	_ =	swait.ge [sflag:s6], $0x100;
	(pc) =	sbr.rel @!p0 .LBB2_6-.Ltmp2, $4  }
0xa5: {  	[sflag:s6] =	ssyncset.done $0x0  }
0xa6: {  	[sflag:s6] =	ssyncadd.s32 $0xFFFFFF00  }
0xa7: {  	[bflag:$0x0] =	sbarrier.arrive $0xFFFF  }
0xa8: {  	s19 =	simm.s32 $0x980;
	s20 =	sadd.s32 $0xFFFFFFFF, s7;
	p1 =	por $0x0, $0x0  }
0xa9: {  	s0 =	simm.s32 $0x80  }
0xaa: {  	[spmem:s2] =	stream.indirect.scatter.add.s32 [tilespmem:s15], [sflag:$0x1], $0x1, s0, s14, $0xb8;
	[tilespmem:$0x2D80] =	vst v63  }
0xab: {  	s23 =	simm.s32 $0x180  }
0xac: {  	[spmem:s2] =	stream.indirect.scatter.add.s32 [tilespmem:s15], [sflag:$0x1], $0x1, s23, s14, $0xb8;
	[tilespmem:$0x2D80] =	vst v63  }
0xad: {  	s24 =	simm.s32 $0x280  }
0xae: {  	[spmem:s2] =	stream.indirect.scatter.add.s32 [tilespmem:s15], [sflag:$0x1], $0x1, s24, s14, $0xb8;
	[tilespmem:$0x2D80] =	vst v63  }
0xaf: {  	s25 =	simm.s32 $0x380  }
0xb0: {  	[spmem:s2] =	stream.indirect.scatter.add.s32 [tilespmem:s15], [sflag:$0x1], $0x1, s25, s14, $0xb8;
	[tilespmem:$0x2D80] =	vst v63  }
0xb1: {  	s26 =	simm.s32 $0x480  }
0xb2: {  	[spmem:s2] =	stream.indirect.scatter.add.s32 [tilespmem:s15], [sflag:$0x1], $0x1, s26, s14, $0xb8;
	[tilespmem:$0x2D80] =	vst v63  }
0xb3: {  	s28 =	simm.s32 $0x580  }
0xb4: {  	[spmem:s2] =	stream.indirect.scatter.add.s32 [tilespmem:s15], [sflag:$0x1], $0x1, s28, s14, $0xb8;
	[tilespmem:$0x2D80] =	vst v63  }
0xb5: {  	s29 =	simm.s32 $0x680  }
0xb6: {  	[spmem:s2] =	stream.indirect.scatter.add.s32 [tilespmem:s15], [sflag:$0x1], $0x1, s29, s14, $0xb8;
	[tilespmem:$0x2D80] =	vst v63  }
0xb7: {  	s30 =	simm.s32 $0x780  }
0xb8: {  	[spmem:s2] =	stream.indirect.scatter.add.s32 [tilespmem:s15], [sflag:$0x1], $0x1, s30, s14, $0xb8;
	[tilespmem:$0x2D80] =	vst v63  }
0xb9: {  	s31 =	simm.s32 $0x880  }
0xba: {  	[spmem:s2] =	stream.indirect.scatter.add.s32 [tilespmem:s15], [sflag:$0x1], $0x1, s31, s14, $0xb8;
	[tilespmem:$0x2D80] =	vst v63  }
0xbb: {  	_ = 	snop  }
0xbc: {  	[spmem:s2] =	stream.indirect.scatter.add.s32 [tilespmem:s15], [sflag:$0x1], $0x1, s19, s14, $0xb8;
	[tilespmem:$0x2D80] =	vst v63  }
0xbd: {  	_ =	swait.ge [sflag:s6], $0x80  }
0xbe: {  	[sflag:s6] =	ssyncset.done $0x0  }
0xbf: {  	[sflag:s6] =	ssyncadd.s32 $0xFFFFFF80  }
0xc0: {  	_ =	swait.ge [sflag:s6], $0x80  }
0xc1: {  	[sflag:s6] =	ssyncset.done $0x0  }
0xc2: {  	[sflag:s6] =	ssyncadd.s32 $0xFFFFFF80  }
0xc3: {  	_ =	swait.ge [sflag:s6], $0x80  }
0xc4: {  	[sflag:s6] =	ssyncset.done $0x0  }
0xc5: {  	[sflag:s6] =	ssyncadd.s32 $0xFFFFFF80  }
0xc6: {  	_ =	swait.ge [sflag:s6], $0x80  }
0xc7: {  	[sflag:s6] =	ssyncset.done $0x0  }
0xc8: {  	[sflag:s6] =	ssyncadd.s32 $0xFFFFFF80  }
0xc9: {  	_ =	swait.ge [sflag:s6], $0x80  }
0xca: {  	[sflag:s6] =	ssyncset.done $0x0  }
0xcb: {  	[sflag:s6] =	ssyncadd.s32 $0xFFFFFF80  }
0xcc: {  	_ =	swait.ge [sflag:s6], $0x80  }
0xcd: {  	[sflag:s6] =	ssyncset.done $0x0  }
0xce: {  	[sflag:s6] =	ssyncadd.s32 $0xFFFFFF80  }
0xcf: {  	_ =	swait.ge [sflag:s6], $0x80  }
0xd0: {  	[sflag:s6] =	ssyncset.done $0x0  }
0xd1: {  	[sflag:s6] =	ssyncadd.s32 $0xFFFFFF80  }
0xd2: {  	_ =	swait.ge [sflag:s6], $0x80  }
0xd3: {  	[sflag:s6] =	ssyncset.done $0x0  }
0xd4: {  	p0 =	sne.s32 s20, $0x1;
	[sflag:s6] =	ssyncadd.s32 $0xFFFFFF80  }
.Ltmp3:
0xd5: {  	_ =	swait.ge [sflag:s6], $0x80;
	(pc) =	sbr.rel @!p0 .LBB2_6-.Ltmp3, $4  }
0xd6: {  	[sflag:s6] =	ssyncset.done $0x0  }
0xd7: {  	[sflag:s6] =	ssyncadd.s32 $0xFFFFFF80  }
0xd8: {  	s20 =	sadd.s32 $0xFFFFFFFF, s20;
	_ =	swait.ge [sflag:s6], $0x80  }
0xd9: {  	p1 =	por $0x1, $0x1;
	s19 =	simm.s32 $0x1380;
	[sflag:s6] =	ssyncset.done $0x0  }
.LBB2_5:
0xda: {  	p0 =	sne.s32 s20, $0x1;
	s0 =	sadd.s32 $0xFFFFF700, s19;
	[sflag:s6] =	ssyncadd.s32 $0xFFFFFF80  }
0xdb: {  	[spmem:s2] =	stream.indirect.scatter.add.s32 [tilespmem:s15], [sflag:$0x1], $0x1, s0, s14, $0xb8;
	[tilespmem:$0x2D80] =	vst v63  }
0xdc: {  	s20 =	sadd.s32 $0xFFFFFFFF, s20;
	s0 =	sadd.s32 $0xFFFFF800, s19  }
0xdd: {  	[spmem:s2] =	stream.indirect.scatter.add.s32 [tilespmem:s15], [sflag:$0x1], $0x1, s0, s14, $0xb8;
	[tilespmem:$0x2D80] =	vst v63  }
0xde: {  	s0 =	sadd.s32 $0xFFFFF900, s19  }
0xdf: {  	[spmem:s2] =	stream.indirect.scatter.add.s32 [tilespmem:s15], [sflag:$0x1], $0x1, s0, s14, $0xb8;
	[tilespmem:$0x2D80] =	vst v63  }
0xe0: {  	s0 =	sadd.s32 $0xFFFFFA00, s19  }
0xe1: {  	[spmem:s2] =	stream.indirect.scatter.add.s32 [tilespmem:s15], [sflag:$0x1], $0x1, s0, s14, $0xb8;
	[tilespmem:$0x2D80] =	vst v63  }
0xe2: {  	s0 =	sadd.s32 $0xFFFFFB00, s19  }
0xe3: {  	[spmem:s2] =	stream.indirect.scatter.add.s32 [tilespmem:s15], [sflag:$0x1], $0x1, s0, s14, $0xb8;
	[tilespmem:$0x2D80] =	vst v63  }
0xe4: {  	s0 =	sadd.s32 $0xFFFFFC00, s19  }
0xe5: {  	[spmem:s2] =	stream.indirect.scatter.add.s32 [tilespmem:s15], [sflag:$0x1], $0x1, s0, s14, $0xb8;
	[tilespmem:$0x2D80] =	vst v63  }
0xe6: {  	s0 =	sadd.s32 $0xFFFFFD00, s19  }
0xe7: {  	[spmem:s2] =	stream.indirect.scatter.add.s32 [tilespmem:s15], [sflag:$0x1], $0x1, s0, s14, $0xb8;
	[tilespmem:$0x2D80] =	vst v63  }
0xe8: {  	s0 =	sadd.s32 $0xFFFFFE00, s19  }
0xe9: {  	[spmem:s2] =	stream.indirect.scatter.add.s32 [tilespmem:s15], [sflag:$0x1], $0x1, s0, s14, $0xb8;
	[tilespmem:$0x2D80] =	vst v63  }
0xea: {  	s0 =	sadd.s32 $0xFFFFFF00, s19  }
0xeb: {  	[spmem:s2] =	stream.indirect.scatter.add.s32 [tilespmem:s15], [sflag:$0x1], $0x1, s0, s14, $0xb8;
	[tilespmem:$0x2D80] =	vst v63  }
0xec: {  	_ = 	snop  }
0xed: {  	[spmem:s2] =	stream.indirect.scatter.add.s32 [tilespmem:s15], [sflag:$0x1], $0x1, s19, s14, $0xb8;
	[tilespmem:$0x2D80] =	vst v63  }
0xee: {  	_ =	swait.ge [sflag:s6], $0x80  }
0xef: {  	[sflag:s6] =	ssyncset.done $0x0  }
0xf0: {  	[sflag:s6] =	ssyncadd.s32 $0xFFFFFF80  }
0xf1: {  	_ =	swait.ge [sflag:s6], $0x80  }
0xf2: {  	[sflag:s6] =	ssyncset.done $0x0  }
0xf3: {  	[sflag:s6] =	ssyncadd.s32 $0xFFFFFF80  }
0xf4: {  	_ =	swait.ge [sflag:s6], $0x80  }
0xf5: {  	[sflag:s6] =	ssyncset.done $0x0  }
0xf6: {  	[sflag:s6] =	ssyncadd.s32 $0xFFFFFF80  }
0xf7: {  	_ =	swait.ge [sflag:s6], $0x80  }
0xf8: {  	[sflag:s6] =	ssyncset.done $0x0  }
0xf9: {  	[sflag:s6] =	ssyncadd.s32 $0xFFFFFF80  }
0xfa: {  	_ =	swait.ge [sflag:s6], $0x80  }
0xfb: {  	[sflag:s6] =	ssyncset.done $0x0  }
0xfc: {  	[sflag:s6] =	ssyncadd.s32 $0xFFFFFF80  }
0xfd: {  	_ =	swait.ge [sflag:s6], $0x80  }
0xfe: {  	[sflag:s6] =	ssyncset.done $0x0  }
0xff: {  	[sflag:s6] =	ssyncadd.s32 $0xFFFFFF80  }
0x100: {  	_ =	swait.ge [sflag:s6], $0x80  }
0x101: {  	[sflag:s6] =	ssyncset.done $0x0  }
0x102: {  	[sflag:s6] =	ssyncadd.s32 $0xFFFFFF80  }
0x103: {  	_ =	swait.ge [sflag:s6], $0x80  }
0x104: {  	[sflag:s6] =	ssyncset.done $0x0  }
0x105: {  	[sflag:s6] =	ssyncadd.s32 $0xFFFFFF80  }
.Ltmp4:
0x106: {  	_ =	swait.ge [sflag:s6], $0x80;
	(pc) =	sbr.rel @p0 .LBB2_5-.Ltmp4, $4  }
0x107: {  	[sflag:s6] =	ssyncset.done $0x0  }
0x108: {  	[sflag:s6] =	ssyncadd.s32 $0xFFFFFF80  }
0x109: {  	_ =	swait.ge [sflag:s6], $0x80  }
0x10a: {  	s19 =	sadd.s32 $0xA00, s19;
	[sflag:s6] =	ssyncset.done $0x0  }
.LBB2_6:
0x10b: {  	s0 =	sadd.s32 $0xFFFFF700, s19;
	[sflag:s6] =	ssyncadd.s32 @p1 $0xFFFFFF80  }
0x10c: {  	[spmem:s2] =	stream.indirect.scatter.add.s32 [tilespmem:s15], [sflag:$0x1], $0x1, s0, s14, $0xb8;
	[tilespmem:$0x2D80] =	vst v63  }
0x10d: {  	s21 =	sadd.s32 $0xFFFFF800, s19  }
0x10e: {  	[spmem:s2] =	stream.indirect.scatter.add.s32 [tilespmem:s15], [sflag:$0x1], $0x1, s21, s14, $0xb8;
	[tilespmem:$0x2D80] =	vst v63  }
0x10f: {  	s22 =	sadd.s32 $0xFFFFF900, s19  }
0x110: {  	[spmem:s2] =	stream.indirect.scatter.add.s32 [tilespmem:s15], [sflag:$0x1], $0x1, s22, s14, $0xb8;
	[tilespmem:$0x2D80] =	vst v63  }
0x111: {  	s23 =	sadd.s32 $0xFFFFFA00, s19  }
0x112: {  	[spmem:s2] =	stream.indirect.scatter.add.s32 [tilespmem:s15], [sflag:$0x1], $0x1, s23, s14, $0xb8;
	[tilespmem:$0x2D80] =	vst v63  }
0x113: {  	s24 =	sadd.s32 $0xFFFFFB00, s19  }
0x114: {  	[spmem:s2] =	stream.indirect.scatter.add.s32 [tilespmem:s15], [sflag:$0x1], $0x1, s24, s14, $0xb8;
	[tilespmem:$0x2D80] =	vst v63  }
0x115: {  	s25 =	sadd.s32 $0xFFFFFC00, s19  }
0x116: {  	[spmem:s2] =	stream.indirect.scatter.add.s32 [tilespmem:s15], [sflag:$0x1], $0x1, s25, s14, $0xb8;
	[tilespmem:$0x2D80] =	vst v63  }
0x117: {  	s26 =	sadd.s32 $0xFFFFFD00, s19  }
0x118: {  	[spmem:s2] =	stream.indirect.scatter.add.s32 [tilespmem:s15], [sflag:$0x1], $0x1, s26, s14, $0xb8;
	[tilespmem:$0x2D80] =	vst v63  }
0x119: {  	s28 =	sadd.s32 $0xFFFFFE00, s19  }
0x11a: {  	[spmem:s2] =	stream.indirect.scatter.add.s32 [tilespmem:s15], [sflag:$0x1], $0x1, s28, s14, $0xb8;
	[tilespmem:$0x2D80] =	vst v63  }
0x11b: {  	s29 =	sadd.s32 $0xFFFFFF00, s19  }
0x11c: {  	[spmem:s2] =	stream.indirect.scatter.add.s32 [tilespmem:s15], [sflag:$0x1], $0x1, s29, s14, $0xb8;
	[tilespmem:$0x2D80] =	vst v63  }
0x11d: {  	_ = 	snop  }
0x11e: {  	[spmem:s2] =	stream.indirect.scatter.add.s32 [tilespmem:s15], [sflag:$0x1], $0x1, s19, s14, $0xb8;
	[tilespmem:$0x2D80] =	vst v63  }
0x11f: {  	_ =	swait.ge [sflag:s6], $0x80  }
0x120: {  	[sflag:s6] =	ssyncset.done $0x0  }
0x121: {  	[sflag:s6] =	ssyncadd.s32 $0xFFFFFF80  }
0x122: {  	_ =	swait.ge [sflag:s6], $0x80  }
0x123: {  	[sflag:s6] =	ssyncset.done $0x0  }
0x124: {  	[sflag:s6] =	ssyncadd.s32 $0xFFFFFF80  }
0x125: {  	_ =	swait.ge [sflag:s6], $0x80  }
0x126: {  	[sflag:s6] =	ssyncset.done $0x0  }
0x127: {  	[sflag:s6] =	ssyncadd.s32 $0xFFFFFF80  }
0x128: {  	_ =	swait.ge [sflag:s6], $0x80  }
0x129: {  	[sflag:s6] =	ssyncset.done $0x0  }
0x12a: {  	[sflag:s6] =	ssyncadd.s32 $0xFFFFFF80  }
0x12b: {  	_ =	swait.ge [sflag:s6], $0x80  }
0x12c: {  	[sflag:s6] =	ssyncset.done $0x0  }
0x12d: {  	[sflag:s6] =	ssyncadd.s32 $0xFFFFFF80  }
0x12e: {  	_ =	swait.ge [sflag:s6], $0x80  }
0x12f: {  	[sflag:s6] =	ssyncset.done $0x0  }
0x130: {  	[sflag:s6] =	ssyncadd.s32 $0xFFFFFF80  }
0x131: {  	_ =	swait.ge [sflag:s6], $0x80  }
0x132: {  	[sflag:s6] =	ssyncset.done $0x0  }
0x133: {  	[sflag:s6] =	ssyncadd.s32 $0xFFFFFF80  }
0x134: {  	_ =	swait.ge [sflag:s6], $0x80  }
0x135: {  	[sflag:s6] =	ssyncset.done $0x0  }
0x136: {  	[sflag:s6] =	ssyncadd.s32 $0xFFFFFF80  }
0x137: {  	_ =	swait.ge [sflag:s6], $0x80  }
0x138: {  	[sflag:s6] =	ssyncset.done $0x0  }
0x139: {  	[sflag:s6] =	ssyncadd.s32 $0xFFFFFF80  }
0x13a: {  	_ =	swait.ge [sflag:s6], $0x80  }
0x13b: {  	s30 =	sshll.u32 s3, $0x6;
	s18 =	sadd.s32 $0x1, s18;
	[sflag:s6] =	ssyncset.done $0x0  }
0x13c: {  	s31 =	sshrl.u32 s5, $0x3;
	p0 =	sne.s32 s18, s9;
	[sflag:s6] =	ssyncadd.s32 $0xFFFFFF80  }
.Ltmp5:
0x13d: {  	s0 =	sor.u32 $0x1C02, s30;
	[bflag:$0x0] =	sbarrier.arrive $0xFFFF;
	(pc) =	sbr.rel @p0 .LBB2_1-.Ltmp5, $4  }
0x13e: {  	[hbm:s8@s16], [sflag:s0] =	dma.strided [spmem:s31@s17], $0x50, s6, $0x10   }
0x13f: {  	_ =	swait.ge [sflag:s13], $0x50  }
0x140: {  	[sflag:s13] =	ssyncset.done $0x0  }
0x141: {  	[sflag:s13] =	ssyncadd.s32 $0xFFFFFFB0  }
0x142: {  	_ =	sfence.sel $0x180000  }
0x143: {  	[bflag:$0x0] =	sbarrier.arrive $0xFFFF  }
0x144: {  	_ =	strace $0x90000047  }
0x145: {  	[bflag:$0x2] =	sbarrier.arrive $0xFFFF  }
0x146: {  	p0 =	sne.s32 s3, $0x0;
	s0 =	rddreg [dreg:$0x3]  }
0x147: {  	s0 =	sadd.s32 @!p0 $0x100000, s0  }
0x148: {  	[sflag:s0] =	ssyncadd.tile.s32 @!p0 $0x1;
	_ =	shalt  }
.Lfunc_end2:
_tile_overlayer_lowered:
.L_overlay_start_2:
0x149: {  	(tag) =	ssettag $0x2  }
0x14a: {  	s0 =	rddreg [dreg:$0x0];
	s2 =	stileid.u32  }
0x14b: {  	s1 =	rddreg [dreg:$0x1];
	p0 =	sne.s32 s2, $0x0  }
0x14c: {  	s3 =	rddreg [dreg:$0x2];
	[bflag:$0x3] =	sbarrier.arrive $0xFFFF;
	s2 =	simm.s32 @!p0 $0x1C02  }
0x14d: {  	[timem:s3], [sflag:s2] =	dma.local @!p0 [hbm:s0], s1  }
0x14e: {  	s0 =	simm.s32 @!p0 $0x2  }
0x14f: {  	_ =	swait.ge @!p0 [sflag:s0], s1  }
0x150: {  	s1 =	ssub.s32 @!p0 $0x0, s1;
	[sflag:s0] =	ssyncset.done @!p0 $0x0  }
0x151: {  	[sflag:s0] =	ssyncadd.s32 @!p0 s1  }
0x152: {  	[bflag:$0x3] =	sbarrier.arrive $0xFFFF  }
0x153: {  	_ =	shalt  }

</sc_bundles>
